<compile_context>
chip_gen: v7x
topology: tpu7x:2x2x1
jax: 0.10.2.dev20260603
libtpu: 0.0.44.dev20260713+nightly
codegen_flags: <defaults>
</compile_context>

<pallas_src>
import functools

import jax
import jax.numpy as jnp
from jax import lax
from jax.experimental import pallas as pl
from jax.experimental.pallas import tpu as pltpu
from jax.experimental.pallas import tpu_sc as plsc

_B = 4096
_L = 50
_D = 128
_LANES = 16
_NCHUNK = _D // _LANES

_info = plsc.get_sparse_core_info()
_NC = _info.num_cores
_NS = _info.num_subcores
_NW = _NC * _NS
_BPW = _B // _NW
_RPS = 2
_IDXW = _RPS * _L
_STEPS = _BPW // _RPS


def _sc_pool(table, idx2d):
    mesh = plsc.VectorSubcoreMesh(core_axis_name="c", subcore_axis_name="s")

    @functools.partial(
        pl.kernel,
        mesh=mesh,
        out_type=jax.ShapeDtypeStruct((_B, _D), jnp.float32),
        scratch_types=[
            pltpu.VMEM((_BPW, _L), jnp.int32),
            pltpu.VMEM((_IDXW, _D), jnp.float32),
            pltpu.VMEM((_IDXW, _D), jnp.float32),
            pltpu.VMEM((_IDXW, _D), jnp.float32),
            pltpu.VMEM((_IDXW, _D), jnp.float32),
            pltpu.VMEM((_BPW, _D), jnp.float32),
            pltpu.SemaphoreType.DMA,
            pltpu.SemaphoreType.DMA,
            pltpu.SemaphoreType.DMA,
            pltpu.SemaphoreType.DMA,
        ],
    )
    def k(table_hbm, idx_hbm, out_hbm, idx_v, b0, b1, b2, b3, out_v,
          s0, s1, s2, s3):
        wid = lax.axis_index("s") * _NC + lax.axis_index("c")
        pltpu.sync_copy(idx_hbm.at[pl.ds(wid * _BPW, _BPW)], idx_v)
        bufs = (b0, b1, b2, b3)
        sems = (s0, s1, s2, s3)
        nbuf = 4

        def start(t, p):
            pltpu.make_async_copy(
                table_hbm.at[idx_v.at[2 * t]],
                bufs[p].at[pl.ds(0, _L)], sems[p]
            ).start()
            pltpu.make_async_copy(
                table_hbm.at[idx_v.at[2 * t + 1]],
                bufs[p].at[pl.ds(_L, _L)], sems[p]
            ).start()

        def wait(p):
            pltpu.make_async_copy(
                table_hbm.at[idx_v.at[0]], bufs[p].at[pl.ds(0, _L)], sems[p]
            ).wait()
            pltpu.make_async_copy(
                table_hbm.at[idx_v.at[0]], bufs[p].at[pl.ds(_L, _L)], sems[p]
            ).wait()

        def accum(t, p):
            rows_v = bufs[p]
            for r in range(_RPS):
                def body(kk, accs):
                    return tuple(
                        accs[j] + rows_v[r * _L + kk, pl.ds(j * _LANES, _LANES)]
                        for j in range(_NCHUNK)
                    )
                accs = lax.fori_loop(
                    0, _L, body,
                    tuple(jnp.zeros((_LANES,), jnp.float32) for _ in range(_NCHUNK)),
                    unroll=1,
                )
                for j in range(_NCHUNK):
                    out_v[t * _RPS + r, pl.ds(j * _LANES, _LANES)] = accs[j]

        for p in range(nbuf - 1):
            start(p, p)

        def quad(i, carry):
            t0 = nbuf * i
            for p in range(nbuf):
                t = t0 + p
                nxt = t + nbuf - 1

                @pl.when(nxt < _STEPS)
                def _():
                    start(nxt, (p + nbuf - 1) % nbuf)

                wait(p)
                accum(t, p)
            return carry

        lax.fori_loop(0, _STEPS // nbuf, quad, 0)
        pltpu.sync_copy(out_v, out_hbm.at[pl.ds(wid * _BPW, _BPW)])

    return k(table, idx2d)


def _mlp(sums, lengths, W1, b1, W2, b2):
    grid = 1
    blk = _B // grid
    out_n = W2.shape[1]

    def body(s_ref, l_ref, w1_ref, b1_ref, w2t_ref, b2_ref, o_ref):
        rep = s_ref[...] / l_ref[...].astype(jnp.float32)
        h = jnp.dot(rep, w1_ref[...], preferred_element_type=jnp.float32)
        h = jnp.maximum(h + b1_ref[...], 0.0)
        o_ref[...] = (
            jax.lax.dot_general(
                w2t_ref[...], h, (((1,), (1,)), ((), ())),
                preferred_element_type=jnp.float32,
            )
            + b2_ref[...]
        )

    lat = W1.shape[1]
    outT = pl.pallas_call(
        body,
        grid=(grid,),
        in_specs=[
            pl.BlockSpec((blk, _D), lambda i: (i, 0)),
            pl.BlockSpec((blk, 1), lambda i: (i, 0)),
            pl.BlockSpec((_D, lat), lambda i: (0, 0)),
            pl.BlockSpec((1, lat), lambda i: (0, 0)),
            pl.BlockSpec((out_n, lat), lambda i: (0, 0)),
            pl.BlockSpec((out_n, 1), lambda i: (0, 0)),
        ],
        out_specs=pl.BlockSpec((out_n, blk), lambda i: (0, i)),
        out_shape=jax.ShapeDtypeStruct((out_n, _B), jnp.float32),
    )(sums, lengths.reshape(_B, 1), W1, b1.reshape(1, lat),
      jnp.transpose(W2), b2.reshape(out_n, 1))
    return jnp.transpose(outT)


def kernel(x, lengths, table, W1, b1, W2, b2):
    sums = _sc_pool(table, x.astype(jnp.int32))
    return _mlp(sums, lengths, W1, b1, W2, b2)

# --- scband reference (transcript-rebuilt; emitter-appended) ---
"""Pipeline reference for scband-baseline-dnn-1202590843643 (READ-ONLY COPY).

The authoritative reference and input builder live on the scoring server;
editing this copy changes nothing except your own understanding.
"""

import jax, jax.numpy as jnp
import numpy as np

VOCAB = 100000
DIM = 128
B = 4096
L = 50
LATENT = 2 * DIM
OUT = 5


def setup_inputs(seed: int = 0) -> dict:
    key = jax.random.key(seed)
    k1, k2, k3, k4, k5 = jax.random.split(key, 5)
    x = jax.random.randint(k1, (B, L), 0, VOCAB)
    lengths = jax.random.randint(k2, (B,), 1, L + 1)
    table = jax.random.normal(k3, (VOCAB, DIM), dtype=jnp.float32) * 0.02
    W1 = jax.random.normal(k4, (DIM, LATENT), dtype=jnp.float32) * (1.0 / np.sqrt(DIM))
    b1 = jnp.zeros((LATENT,), dtype=jnp.float32)
    W2 = jax.random.normal(k5, (LATENT, OUT), dtype=jnp.float32) * (1.0 / np.sqrt(LATENT))
    b2 = jnp.zeros((OUT,), dtype=jnp.float32)
    return {"x": x, "lengths": lengths, "table": table, "W1": W1, "b1": b1, "W2": W2, "b2": b2}


def reference(x, lengths, table, W1, b1, W2, b2):
    # embedding lookup: [B, L, D]
    emb = jnp.take(table, x, axis=0)
    # sum over sequence then divide by lengths (mean over valid tokens)
    representations = jnp.sum(emb, axis=1)
    representations = representations / lengths.astype(jnp.float32)[:, None]
    h = jax.nn.relu(representations @ W1 + b1)
    logits = h @ W2 + b2
    return logits

if __name__ == "__main__":
    import jax
    _d = setup_inputs()
    print(jax.jit(kernel)(*tuple(_d.values())))

</pallas_src>

<mosaic_0001>
#map = affine_map<(d0, d1) -> (0, 0)>
module attributes {stable_mosaic.version = 14 : i64} {
  func.func @k(%arg0: i32, %arg1: i32, %arg2: memref<100000x128xf32, #tpu.memory_space<hbm>>, %arg3: memref<4096x50xi32, #tpu.memory_space<hbm>>, %arg4: memref<4096x128xf32, #tpu.memory_space<hbm>>, %arg5: memref<128x50xi32, #tpu.memory_space<vmem>>, %arg6: memref<100x128xf32, #tpu.memory_space<vmem>>, %arg7: memref<100x128xf32, #tpu.memory_space<vmem>>, %arg8: memref<100x128xf32, #tpu.memory_space<vmem>>, %arg9: memref<100x128xf32, #tpu.memory_space<vmem>>, %arg10: memref<128x128xf32, #tpu.memory_space<vmem>>, %arg11: memref<!tpu.dma_semaphore, #tpu.memory_space<semaphore_mem>>, %arg12: memref<!tpu.dma_semaphore, #tpu.memory_space<semaphore_mem>>, %arg13: memref<!tpu.dma_semaphore, #tpu.memory_space<semaphore_mem>>, %arg14: memref<!tpu.dma_semaphore, #tpu.memory_space<semaphore_mem>>) attributes {dimension_semantics = [#tpu.dimension_semantics<core_parallel>, #tpu.dimension_semantics<subcore_parallel>], iteration_bounds = array<i64: 2, 16>, scalar_prefetch = 0 : i64, scratch_operands = 10 : i64, tpu.core_type = #tpu.core_type<sc_vector_subcore>, window_params = [{transform_indices = #map}, {transform_indices = #map}, {transform_indices = #map}]} {
    %mul3A = arith.constant 2 : i32
    %mul3A_0 = arith.muli %arg1, %mul3A : i32
    %add3A = arith.addi %mul3A_0, %arg0 : i32
    %mul3A_1 = arith.constant 128 : i32
    %mul3A_2 = arith.muli %add3A, %mul3A_1 : i32
    "tpu.region"() ({
      %run_scoped3A = tpu.sem_alloc : memref<!tpu.dma_semaphore, #tpu.memory_space<semaphore_mem>>
      %dma_start3A_69 = arith.constant 0 : i32
      %dma_start3A_70 = tpu.memref_slice %arg3[%mul3A_2, %dma_start3A_69] : memref<4096x50xi32, #tpu.memory_space<hbm>> -> memref<128x50xi32, #tpu.memory_space<hbm>>
      %dma_start3A_71 = arith.constant 0 : i32
      %dma_start3A_72 = tpu.memref_slice %arg3[%mul3A_2, %dma_start3A_71] : memref<4096x50xi32, #tpu.memory_space<hbm>> -> memref<128x50xi32, #tpu.memory_space<hbm>>
      tpu.enqueue_dma source(%dma_start3A_72 : memref<128x50xi32, #tpu.memory_space<hbm>>) target(%arg5 : memref<128x50xi32, #tpu.memory_space<vmem>>) target_semaphore(%run_scoped3A : memref<!tpu.dma_semaphore, #tpu.memory_space<semaphore_mem>>)
      %dma_wait3A = arith.constant 0 : i32
      %dma_wait3A_73 = tpu.memref_slice %arg3[%mul3A_2, %dma_wait3A] : memref<4096x50xi32, #tpu.memory_space<hbm>> -> memref<128x50xi32, #tpu.memory_space<hbm>>
      %dma_wait3A_74 = arith.constant 0 : i32
      %dma_wait3A_75 = tpu.memref_slice %arg3[%mul3A_2, %dma_wait3A_74] : memref<4096x50xi32, #tpu.memory_space<hbm>> -> memref<128x50xi32, #tpu.memory_space<hbm>>
      tpu.wait_dma2 semaphore(%run_scoped3A : memref<!tpu.dma_semaphore, #tpu.memory_space<semaphore_mem>>) src(%dma_wait3A_75 : memref<128x50xi32, #tpu.memory_space<hbm>>) dst(%arg5 : memref<128x50xi32, #tpu.memory_space<vmem>>)
      tpu.yield
    }) : () -> ()
    %dma_start3A = arith.constant 0 : i32
    %dma_start3A_3 = arith.constant 0 : i32
    %dma_start3A_4 = arith.constant 0 : i32
    %dma_start3A_5 = tpu.memref_slice %arg6[%dma_start3A_3, %dma_start3A_4] : memref<100x128xf32, #tpu.memory_space<vmem>> -> memref<50x128xf32, #tpu.memory_space<vmem>>
    %dma_start3A_6 = arith.constant 0 : i32
    %dma_start3A_7 = tpu.memref_slice %arg5[%dma_start3A, %dma_start3A_6] : memref<128x50xi32, #tpu.memory_space<vmem>> -> memref<1x50xi32, #tpu.memory_space<vmem>>
    %dma_start3A_8 = tpu.memref_squeeze %dma_start3A_7 : memref<1x50xi32, #tpu.memory_space<vmem>> -> memref<50xi32, #tpu.memory_space<vmem>>
    %dma_start3A_9 = arith.constant 0 : i32
    %dma_start3A_10 = arith.constant 0 : i32
    %dma_start3A_11 = tpu.memref_slice %arg2[%dma_start3A_9, %dma_start3A_10] : memref<100000x128xf32, #tpu.memory_space<hbm>> -> memref<100000x128xf32, #tpu.memory_space<hbm>>
    tpu.enqueue_indirect_dma source(%dma_start3A_11 : memref<100000x128xf32, #tpu.memory_space<hbm>>) target(%dma_start3A_5 : memref<50x128xf32, #tpu.memory_space<vmem>>) offsets(%dma_start3A_8 : memref<50xi32, #tpu.memory_space<vmem>>) semaphore(%arg11 : memref<!tpu.dma_semaphore, #tpu.memory_space<semaphore_mem>>)
    %dma_start3A_12 = arith.constant 1 : i32
    %dma_start3A_13 = arith.constant 50 : i32
    %dma_start3A_14 = arith.constant 0 : i32
    %dma_start3A_15 = tpu.memref_slice %arg6[%dma_start3A_13, %dma_start3A_14] : memref<100x128xf32, #tpu.memory_space<vmem>> -> memref<50x128xf32, #tpu.memory_space<vmem>>
    %dma_start3A_16 = arith.constant 0 : i32
    %dma_start3A_17 = tpu.memref_slice %arg5[%dma_start3A_12, %dma_start3A_16] : memref<128x50xi32, #tpu.memory_space<vmem>> -> memref<1x50xi32, #tpu.memory_space<vmem>>
    %dma_start3A_18 = tpu.memref_squeeze %dma_start3A_17 : memref<1x50xi32, #tpu.memory_space<vmem>> -> memref<50xi32, #tpu.memory_space<vmem>>
    %dma_start3A_19 = arith.constant 0 : i32
    %dma_start3A_20 = arith.constant 0 : i32
    %dma_start3A_21 = tpu.memref_slice %arg2[%dma_start3A_19, %dma_start3A_20] : memref<100000x128xf32, #tpu.memory_space<hbm>> -> memref<100000x128xf32, #tpu.memory_space<hbm>>
    tpu.enqueue_indirect_dma source(%dma_start3A_21 : memref<100000x128xf32, #tpu.memory_space<hbm>>) target(%dma_start3A_15 : memref<50x128xf32, #tpu.memory_space<vmem>>) offsets(%dma_start3A_18 : memref<50xi32, #tpu.memory_space<vmem>>) semaphore(%arg11 : memref<!tpu.dma_semaphore, #tpu.memory_space<semaphore_mem>>)
    %dma_start3A_22 = arith.constant 2 : i32
    %dma_start3A_23 = arith.constant 0 : i32
    %dma_start3A_24 = arith.constant 0 : i32
    %dma_start3A_25 = tpu.memref_slice %arg7[%dma_start3A_23, %dma_start3A_24] : memref<100x128xf32, #tpu.memory_space<vmem>> -> memref<50x128xf32, #tpu.memory_space<vmem>>
    %dma_start3A_26 = arith.constant 0 : i32
    %dma_start3A_27 = tpu.memref_slice %arg5[%dma_start3A_22, %dma_start3A_26] : memref<128x50xi32, #tpu.memory_space<vmem>> -> memref<1x50xi32, #tpu.memory_space<vmem>>
    %dma_start3A_28 = tpu.memref_squeeze %dma_start3A_27 : memref<1x50xi32, #tpu.memory_space<vmem>> -> memref<50xi32, #tpu.memory_space<vmem>>
    %dma_start3A_29 = arith.constant 0 : i32
    %dma_start3A_30 = arith.constant 0 : i32
    %dma_start3A_31 = tpu.memref_slice %arg2[%dma_start3A_29, %dma_start3A_30] : memref<100000x128xf32, #tpu.memory_space<hbm>> -> memref<100000x128xf32, #tpu.memory_space<hbm>>
    tpu.enqueue_indirect_dma source(%dma_start3A_31 : memref<100000x128xf32, #tpu.memory_space<hbm>>) target(%dma_start3A_25 : memref<50x128xf32, #tpu.memory_space<vmem>>) offsets(%dma_start3A_28 : memref<50xi32, #tpu.memory_space<vmem>>) semaphore(%arg12 : memref<!tpu.dma_semaphore, #tpu.memory_space<semaphore_mem>>)
    %dma_start3A_32 = arith.constant 3 : i32
    %dma_start3A_33 = arith.constant 50 : i32
    %dma_start3A_34 = arith.constant 0 : i32
    %dma_start3A_35 = tpu.memref_slice %arg7[%dma_start3A_33, %dma_start3A_34] : memref<100x128xf32, #tpu.memory_space<vmem>> -> memref<50x128xf32, #tpu.memory_space<vmem>>
    %dma_start3A_36 = arith.constant 0 : i32
    %dma_start3A_37 = tpu.memref_slice %arg5[%dma_start3A_32, %dma_start3A_36] : memref<128x50xi32, #tpu.memory_space<vmem>> -> memref<1x50xi32, #tpu.memory_space<vmem>>
    %dma_start3A_38 = tpu.memref_squeeze %dma_start3A_37 : memref<1x50xi32, #tpu.memory_space<vmem>> -> memref<50xi32, #tpu.memory_space<vmem>>
    %dma_start3A_39 = arith.constant 0 : i32
    %dma_start3A_40 = arith.constant 0 : i32
    %dma_start3A_41 = tpu.memref_slice %arg2[%dma_start3A_39, %dma_start3A_40] : memref<100000x128xf32, #tpu.memory_space<hbm>> -> memref<100000x128xf32, #tpu.memory_space<hbm>>
    tpu.enqueue_indirect_dma source(%dma_start3A_41 : memref<100000x128xf32, #tpu.memory_space<hbm>>) target(%dma_start3A_35 : memref<50x128xf32, #tpu.memory_space<vmem>>) offsets(%dma_start3A_38 : memref<50xi32, #tpu.memory_space<vmem>>) semaphore(%arg12 : memref<!tpu.dma_semaphore, #tpu.memory_space<semaphore_mem>>)
    %dma_start3A_42 = arith.constant 4 : i32
    %dma_start3A_43 = arith.constant 0 : i32
    %dma_start3A_44 = arith.constant 0 : i32
    %dma_start3A_45 = tpu.memref_slice %arg8[%dma_start3A_43, %dma_start3A_44] : memref<100x128xf32, #tpu.memory_space<vmem>> -> memref<50x128xf32, #tpu.memory_space<vmem>>
    %dma_start3A_46 = arith.constant 0 : i32
    %dma_start3A_47 = tpu.memref_slice %arg5[%dma_start3A_42, %dma_start3A_46] : memref<128x50xi32, #tpu.memory_space<vmem>> -> memref<1x50xi32, #tpu.memory_space<vmem>>
    %dma_start3A_48 = tpu.memref_squeeze %dma_start3A_47 : memref<1x50xi32, #tpu.memory_space<vmem>> -> memref<50xi32, #tpu.memory_space<vmem>>
    %dma_start3A_49 = arith.constant 0 : i32
    %dma_start3A_50 = arith.constant 0 : i32
    %dma_start3A_51 = tpu.memref_slice %arg2[%dma_start3A_49, %dma_start3A_50] : memref<100000x128xf32, #tpu.memory_space<hbm>> -> memref<100000x128xf32, #tpu.memory_space<hbm>>
    tpu.enqueue_indirect_dma source(%dma_start3A_51 : memref<100000x128xf32, #tpu.memory_space<hbm>>) target(%dma_start3A_45 : memref<50x128xf32, #tpu.memory_space<vmem>>) offsets(%dma_start3A_48 : memref<50xi32, #tpu.memory_space<vmem>>) semaphore(%arg13 : memref<!tpu.dma_semaphore, #tpu.memory_space<semaphore_mem>>)
    %dma_start3A_52 = arith.constant 5 : i32
    %dma_start3A_53 = arith.constant 50 : i32
    %dma_start3A_54 = arith.constant 0 : i32
    %dma_start3A_55 = tpu.memref_slice %arg8[%dma_start3A_53, %dma_start3A_54] : memref<100x128xf32, #tpu.memory_space<vmem>> -> memref<50x128xf32, #tpu.memory_space<vmem>>
    %dma_start3A_56 = arith.constant 0 : i32
    %dma_start3A_57 = tpu.memref_slice %arg5[%dma_start3A_52, %dma_start3A_56] : memref<128x50xi32, #tpu.memory_space<vmem>> -> memref<1x50xi32, #tpu.memory_space<vmem>>
    %dma_start3A_58 = tpu.memref_squeeze %dma_start3A_57 : memref<1x50xi32, #tpu.memory_space<vmem>> -> memref<50xi32, #tpu.memory_space<vmem>>
    %dma_start3A_59 = arith.constant 0 : i32
    %dma_start3A_60 = arith.constant 0 : i32
    %dma_start3A_61 = tpu.memref_slice %arg2[%dma_start3A_59, %dma_start3A_60] : memref<100000x128xf32, #tpu.memory_space<hbm>> -> memref<100000x128xf32, #tpu.memory_space<hbm>>
    tpu.enqueue_indirect_dma source(%dma_start3A_61 : memref<100000x128xf32, #tpu.memory_space<hbm>>) target(%dma_start3A_55 : memref<50x128xf32, #tpu.memory_space<vmem>>) offsets(%dma_start3A_58 : memref<50xi32, #tpu.memory_space<vmem>>) semaphore(%arg13 : memref<!tpu.dma_semaphore, #tpu.memory_space<semaphore_mem>>)
    %scan3A = arith.constant 0 : i32
    %scan3A_62 = arith.constant 0 : i32
    %scan3A_63 = arith.constant 16 : i32
    %scan3A_64 = arith.addi %scan3A_62, %scan3A_63 : i32
    %scan3A_65 = arith.constant 1 : i32
    scf.for %scan3A_69 = %scan3A_62 to %scan3A_64 step %scan3A_65  : i32 {
      %mul3A_70 = arith.constant 4 : i32
      %mul3A_71 = arith.muli %mul3A_70, %scan3A_69 : i32
      %add3A_72 = arith.constant 0 : i32
      %add3A_73 = arith.addi %mul3A_71, %add3A_72 : i32
      %add3A_74 = arith.constant 4 : i32
      %add3A_75 = arith.addi %add3A_73, %add3A_74 : i32
      %sub3A = arith.constant 1 : i32
      %sub3A_76 = arith.subi %add3A_75, %sub3A : i32
      %lt3A = arith.constant 64 : i32
      %lt3A_77 = arith.cmpi slt, %sub3A_76, %lt3A : i32
      %convert_element_type3A = arith.extui %lt3A_77 : i1 to i32
      %cond3A = arith.constant 0 : i32
      %cond3A_78 = arith.cmpi ne, %convert_element_type3A, %cond3A : i32
      scf.if %cond3A_78 {
        %mul3A_941 = arith.constant 2 : i32
        %mul3A_942 = arith.muli %mul3A_941, %sub3A_76 : i32
        %dma_start3A_943 = arith.constant 0 : i32
        %dma_start3A_944 = arith.constant 0 : i32
        %dma_start3A_945 = tpu.memref_slice %arg9[%dma_start3A_943, %dma_start3A_944] : memref<100x128xf32, #tpu.memory_space<vmem>> -> memref<50x128xf32, #tpu.memory_space<vmem>>
        %dma_start3A_946 = arith.constant 0 : i32
        %dma_start3A_947 = tpu.memref_slice %arg5[%mul3A_942, %dma_start3A_946] : memref<128x50xi32, #tpu.memory_space<vmem>> -> memref<1x50xi32, #tpu.memory_space<vmem>>
        %dma_start3A_948 = tpu.memref_squeeze %dma_start3A_947 : memref<1x50xi32, #tpu.memory_space<vmem>> -> memref<50xi32, #tpu.memory_space<vmem>>
        %dma_start3A_949 = arith.constant 0 : i32
        %dma_start3A_950 = arith.constant 0 : i32
        %dma_start3A_951 = tpu.memref_slice %arg2[%dma_start3A_949, %dma_start3A_950] : memref<100000x128xf32, #tpu.memory_space<hbm>> -> memref<100000x128xf32, #tpu.memory_space<hbm>>
        tpu.enqueue_indirect_dma source(%dma_start3A_951 : memref<100000x128xf32, #tpu.memory_space<hbm>>) target(%dma_start3A_945 : memref<50x128xf32, #tpu.memory_space<vmem>>) offsets(%dma_start3A_948 : memref<50xi32, #tpu.memory_space<vmem>>) semaphore(%arg14 : memref<!tpu.dma_semaphore, #tpu.memory_space<semaphore_mem>>)
        %mul3A_952 = arith.constant 2 : i32
        %mul3A_953 = arith.muli %mul3A_952, %sub3A_76 : i32
        %add3A_954 = arith.constant 1 : i32
        %add3A_955 = arith.addi %mul3A_953, %add3A_954 : i32
        %dma_start3A_956 = arith.constant 50 : i32
        %dma_start3A_957 = arith.constant 0 : i32
        %dma_start3A_958 = tpu.memref_slice %arg9[%dma_start3A_956, %dma_start3A_957] : memref<100x128xf32, #tpu.memory_space<vmem>> -> memref<50x128xf32, #tpu.memory_space<vmem>>
        %dma_start3A_959 = arith.constant 0 : i32
        %dma_start3A_960 = tpu.memref_slice %arg5[%add3A_955, %dma_start3A_959] : memref<128x50xi32, #tpu.memory_space<vmem>> -> memref<1x50xi32, #tpu.memory_space<vmem>>
        %dma_start3A_961 = tpu.memref_squeeze %dma_start3A_960 : memref<1x50xi32, #tpu.memory_space<vmem>> -> memref<50xi32, #tpu.memory_space<vmem>>
        %dma_start3A_962 = arith.constant 0 : i32
        %dma_start3A_963 = arith.constant 0 : i32
        %dma_start3A_964 = tpu.memref_slice %arg2[%dma_start3A_962, %dma_start3A_963] : memref<100000x128xf32, #tpu.memory_space<hbm>> -> memref<100000x128xf32, #tpu.memory_space<hbm>>
        tpu.enqueue_indirect_dma source(%dma_start3A_964 : memref<100000x128xf32, #tpu.memory_space<hbm>>) target(%dma_start3A_958 : memref<50x128xf32, #tpu.memory_space<vmem>>) offsets(%dma_start3A_961 : memref<50xi32, #tpu.memory_space<vmem>>) semaphore(%arg14 : memref<!tpu.dma_semaphore, #tpu.memory_space<semaphore_mem>>)
      } else {
      }
      %dma_wait3A = arith.constant 0 : i32
      %dma_wait3A_79 = arith.constant 0 : i32
      %dma_wait3A_80 = arith.constant 0 : i32
      %dma_wait3A_81 = tpu.memref_slice %arg6[%dma_wait3A_79, %dma_wait3A_80] : memref<100x128xf32, #tpu.memory_space<vmem>> -> memref<50x128xf32, #tpu.memory_space<vmem>>
      %dma_wait3A_82 = arith.constant 0 : i32
      %dma_wait3A_83 = tpu.memref_slice %arg5[%dma_wait3A, %dma_wait3A_82] : memref<128x50xi32, #tpu.memory_space<vmem>> -> memref<1x50xi32, #tpu.memory_space<vmem>>
      %dma_wait3A_84 = tpu.memref_squeeze %dma_wait3A_83 : memref<1x50xi32, #tpu.memory_space<vmem>> -> memref<50xi32, #tpu.memory_space<vmem>>
      %dma_wait3A_85 = arith.constant 0 : i32
      %dma_wait3A_86 = arith.constant 0 : i32
      %dma_wait3A_87 = tpu.memref_slice %arg2[%dma_wait3A_85, %dma_wait3A_86] : memref<100000x128xf32, #tpu.memory_space<hbm>> -> memref<100000x128xf32, #tpu.memory_space<hbm>>
      tpu.wait_indirect_dma semaphore(%arg11 : memref<!tpu.dma_semaphore, #tpu.memory_space<semaphore_mem>>) src(%dma_wait3A_87 : memref<100000x128xf32, #tpu.memory_space<hbm>>) dst(%dma_wait3A_81 : memref<50x128xf32, #tpu.memory_space<vmem>>)
      %dma_wait3A_88 = arith.constant 0 : i32
      %dma_wait3A_89 = arith.constant 50 : i32
      %dma_wait3A_90 = arith.constant 0 : i32
      %dma_wait3A_91 = tpu.memref_slice %arg6[%dma_wait3A_89, %dma_wait3A_90] : memref<100x128xf32, #tpu.memory_space<vmem>> -> memref<50x128xf32, #tpu.memory_space<vmem>>
      %dma_wait3A_92 = arith.constant 0 : i32
      %dma_wait3A_93 = tpu.memref_slice %arg5[%dma_wait3A_88, %dma_wait3A_92] : memref<128x50xi32, #tpu.memory_space<vmem>> -> memref<1x50xi32, #tpu.memory_space<vmem>>
      %dma_wait3A_94 = tpu.memref_squeeze %dma_wait3A_93 : memref<1x50xi32, #tpu.memory_space<vmem>> -> memref<50xi32, #tpu.memory_space<vmem>>
      %dma_wait3A_95 = arith.constant 0 : i32
      %dma_wait3A_96 = arith.constant 0 : i32
      %dma_wait3A_97 = tpu.memref_slice %arg2[%dma_wait3A_95, %dma_wait3A_96] : memref<100000x128xf32, #tpu.memory_space<hbm>> -> memref<100000x128xf32, #tpu.memory_space<hbm>>
      tpu.wait_indirect_dma semaphore(%arg11 : memref<!tpu.dma_semaphore, #tpu.memory_space<semaphore_mem>>) src(%dma_wait3A_97 : memref<100000x128xf32, #tpu.memory_space<hbm>>) dst(%dma_wait3A_91 : memref<50x128xf32, #tpu.memory_space<vmem>>)
      %broadcast_in_dim3A = arith.constant 0.000000e+00 : f32
      %broadcast_in_dim3A_98 = vector.broadcast %broadcast_in_dim3A : f32 to vector<16xf32>
      %broadcast_in_dim3A_99 = arith.constant 0.000000e+00 : f32
      %broadcast_in_dim3A_100 = vector.broadcast %broadcast_in_dim3A_99 : f32 to vector<16xf32>
      %broadcast_in_dim3A_101 = arith.constant 0.000000e+00 : f32
      %broadcast_in_dim3A_102 = vector.broadcast %broadcast_in_dim3A_101 : f32 to vector<16xf32>
      %broadcast_in_dim3A_103 = arith.constant 0.000000e+00 : f32
      %broadcast_in_dim3A_104 = vector.broadcast %broadcast_in_dim3A_103 : f32 to vector<16xf32>
      %broadcast_in_dim3A_105 = arith.constant 0.000000e+00 : f32
      %broadcast_in_dim3A_106 = vector.broadcast %broadcast_in_dim3A_105 : f32 to vector<16xf32>
      %broadcast_in_dim3A_107 = arith.constant 0.000000e+00 : f32
      %broadcast_in_dim3A_108 = vector.broadcast %broadcast_in_dim3A_107 : f32 to vector<16xf32>
      %broadcast_in_dim3A_109 = arith.constant 0.000000e+00 : f32
      %broadcast_in_dim3A_110 = vector.broadcast %broadcast_in_dim3A_109 : f32 to vector<16xf32>
      %broadcast_in_dim3A_111 = arith.constant 0.000000e+00 : f32
      %broadcast_in_dim3A_112 = vector.broadcast %broadcast_in_dim3A_111 : f32 to vector<16xf32>
      %scan3A_113 = arith.constant 0 : i32
      %scan3A_114 = arith.constant 50 : i32
      %scan3A_115 = arith.addi %scan3A_113, %scan3A_114 : i32
      %scan3A_116 = arith.constant 1 : i32
      %scan3A_117:8 = scf.for %scan3A_941 = %scan3A_113 to %scan3A_115 step %scan3A_116 iter_args(%scan3A_942 = %broadcast_in_dim3A_98, %scan3A_943 = %broadcast_in_dim3A_100, %scan3A_944 = %broadcast_in_dim3A_102, %scan3A_945 = %broadcast_in_dim3A_104, %scan3A_946 = %broadcast_in_dim3A_106, %scan3A_947 = %broadcast_in_dim3A_108, %scan3A_948 = %broadcast_in_dim3A_110, %scan3A_949 = %broadcast_in_dim3A_112) -> (vector<16xf32>, vector<16xf32>, vector<16xf32>, vector<16xf32>, vector<16xf32>, vector<16xf32>, vector<16xf32>, vector<16xf32>)  : i32 {
        %add3A_950 = arith.constant 0 : i32
        %add3A_951 = arith.addi %add3A_950, %scan3A_941 : i32
        %get3A = arith.index_cast %add3A_951 : i32 to index
        %get3A_952 = arith.constant 0 : index
        %get3A_953 = tpu.vector_load %arg6[%get3A, %get3A_952] {strides = array<i32>} : memref<100x128xf32, #tpu.memory_space<vmem>>, vector<1x16xf32>,
        %get3A_954 = vector.shape_cast %get3A_953 : vector<1x16xf32> to vector<16xf32>
        %add3A_955 = arith.addf %scan3A_942, %get3A_954 : vector<16xf32>
        %add3A_956 = arith.constant 0 : i32
        %add3A_957 = arith.addi %add3A_956, %scan3A_941 : i32
        %get3A_958 = arith.index_cast %add3A_957 : i32 to index
        %get3A_959 = arith.constant 16 : index
        %get3A_960 = tpu.vector_load %arg6[%get3A_958, %get3A_959] {strides = array<i32>} : memref<100x128xf32, #tpu.memory_space<vmem>>, vector<1x16xf32>,
        %get3A_961 = vector.shape_cast %get3A_960 : vector<1x16xf32> to vector<16xf32>
        %add3A_962 = arith.addf %scan3A_943, %get3A_961 : vector<16xf32>
        %add3A_963 = arith.constant 0 : i32
        %add3A_964 = arith.addi %add3A_963, %scan3A_941 : i32
        %get3A_965 = arith.index_cast %add3A_964 : i32 to index
        %get3A_966 = arith.constant 32 : index
        %get3A_967 = tpu.vector_load %arg6[%get3A_965, %get3A_966] {strides = array<i32>} : memref<100x128xf32, #tpu.memory_space<vmem>>, vector<1x16xf32>,
        %get3A_968 = vector.shape_cast %get3A_967 : vector<1x16xf32> to vector<16xf32>
        %add3A_969 = arith.addf %scan3A_944, %get3A_968 : vector<16xf32>
        %add3A_970 = arith.constant 0 : i32
        %add3A_971 = arith.addi %add3A_970, %scan3A_941 : i32
        %get3A_972 = arith.index_cast %add3A_971 : i32 to index
        %get3A_973 = arith.constant 48 : index
        %get3A_974 = tpu.vector_load %arg6[%get3A_972, %get3A_973] {strides = array<i32>} : memref<100x128xf32, #tpu.memory_space<vmem>>, vector<1x16xf32>,
        %get3A_975 = vector.shape_cast %get3A_974 : vector<1x16xf32> to vector<16xf32>
        %add3A_976 = arith.addf %scan3A_945, %get3A_975 : vector<16xf32>
        %add3A_977 = arith.constant 0 : i32
        %add3A_978 = arith.addi %add3A_977, %scan3A_941 : i32
        %get3A_979 = arith.index_cast %add3A_978 : i32 to index
        %get3A_980 = arith.constant 64 : index
        %get3A_981 = tpu.vector_load %arg6[%get3A_979, %get3A_980] {strides = array<i32>} : memref<100x128xf32, #tpu.memory_space<vmem>>, vector<1x16xf32>,
        %get3A_982 = vector.shape_cast %get3A_981 : vector<1x16xf32> to vector<16xf32>
        %add3A_983 = arith.addf %scan3A_946, %get3A_982 : vector<16xf32>
        %add3A_984 = arith.constant 0 : i32
        %add3A_985 = arith.addi %add3A_984, %scan3A_941 : i32
        %get3A_986 = arith.index_cast %add3A_985 : i32 to index
        %get3A_987 = arith.constant 80 : index
        %get3A_988 = tpu.vector_load %arg6[%get3A_986, %get3A_987] {strides = array<i32>} : memref<100x128xf32, #tpu.memory_space<vmem>>, vector<1x16xf32>,
        %get3A_989 = vector.shape_cast %get3A_988 : vector<1x16xf32> to vector<16xf32>
        %add3A_990 = arith.addf %scan3A_947, %get3A_989 : vector<16xf32>
        %add3A_991 = arith.constant 0 : i32
        %add3A_992 = arith.addi %add3A_991, %scan3A_941 : i32
        %get3A_993 = arith.index_cast %add3A_992 : i32 to index
        %get3A_994 = arith.constant 96 : index
        %get3A_995 = tpu.vector_load %arg6[%get3A_993, %get3A_994] {strides = array<i32>} : memref<100x128xf32, #tpu.memory_space<vmem>>, vector<1x16xf32>,
        %get3A_996 = vector.shape_cast %get3A_995 : vector<1x16xf32> to vector<16xf32>
        %add3A_997 = arith.addf %scan3A_948, %get3A_996 : vector<16xf32>
        %add3A_998 = arith.constant 0 : i32
        %add3A_999 = arith.addi %add3A_998, %scan3A_941 : i32
        %get3A_1000 = arith.index_cast %add3A_999 : i32 to index
        %get3A_1001 = arith.constant 112 : index
        %get3A_1002 = tpu.vector_load %arg6[%get3A_1000, %get3A_1001] {strides = array<i32>} : memref<100x128xf32, #tpu.memory_space<vmem>>, vector<1x16xf32>,
        %get3A_1003 = vector.shape_cast %get3A_1002 : vector<1x16xf32> to vector<16xf32>
        %add3A_1004 = arith.addf %scan3A_949, %get3A_1003 : vector<16xf32>
        scf.yield %add3A_955, %add3A_962, %add3A_969, %add3A_976, %add3A_983, %add3A_990, %add3A_997, %add3A_1004 : vector<16xf32>, vector<16xf32>, vector<16xf32>, vector<16xf32>, vector<16xf32>, vector<16xf32>, vector<16xf32>, vector<16xf32>
      }
      %scan3A_118 = arith.constant 50 : i32
      %mul3A_119 = arith.constant 2 : i32
      %mul3A_120 = arith.muli %add3A_73, %mul3A_119 : i32
      %add3A_121 = arith.constant 0 : i32
      %add3A_122 = arith.addi %mul3A_120, %add3A_121 : i32
      %swap3A = arith.index_cast %add3A_122 : i32 to index
      %swap3A_123 = arith.constant 0 : index
      %swap3A_124 = tpu.vector_load %arg10[%swap3A, %swap3A_123] {strides = array<i32>} : memref<128x128xf32, #tpu.memory_space<vmem>>, vector<1x16xf32>,
      %swap3A_125 = vector.shape_cast %swap3A_124 : vector<1x16xf32> to vector<16xf32>
      %swap3A_126 = vector.shape_cast %scan3A_117#0 : vector<16xf32> to vector<1x16xf32>
      tpu.vector_store %arg10[%swap3A, %swap3A_123], %swap3A_126 {strides = array<i32>} : memref<128x128xf32, #tpu.memory_space<vmem>>, vector<1x16xf32>,
      %mul3A_127 = arith.constant 2 : i32
      %mul3A_128 = arith.muli %add3A_73, %mul3A_127 : i32
      %add3A_129 = arith.constant 0 : i32
      %add3A_130 = arith.addi %mul3A_128, %add3A_129 : i32
      %swap3A_131 = arith.index_cast %add3A_130 : i32 to index
      %swap3A_132 = arith.constant 16 : index
      %swap3A_133 = tpu.vector_load %arg10[%swap3A_131, %swap3A_132] {strides = array<i32>} : memref<128x128xf32, #tpu.memory_space<vmem>>, vector<1x16xf32>,
      %swap3A_134 = vector.shape_cast %swap3A_133 : vector<1x16xf32> to vector<16xf32>
      %swap3A_135 = vector.shape_cast %scan3A_117#1 : vector<16xf32> to vector<1x16xf32>
      tpu.vector_store %arg10[%swap3A_131, %swap3A_132], %swap3A_135 {strides = array<i32>} : memref<128x128xf32, #tpu.memory_space<vmem>>, vector<1x16xf32>,
      %mul3A_136 = arith.constant 2 : i32
      %mul3A_137 = arith.muli %add3A_73, %mul3A_136 : i32
      %add3A_138 = arith.constant 0 : i32
      %add3A_139 = arith.addi %mul3A_137, %add3A_138 : i32
      %swap3A_140 = arith.index_cast %add3A_139 : i32 to index
      %swap3A_141 = arith.constant 32 : index
      %swap3A_142 = tpu.vector_load %arg10[%swap3A_140, %swap3A_141] {strides = array<i32>} : memref<128x128xf32, #tpu.memory_space<vmem>>, vector<1x16xf32>,
      %swap3A_143 = vector.shape_cast %swap3A_142 : vector<1x16xf32> to vector<16xf32>
      %swap3A_144 = vector.shape_cast %scan3A_117#2 : vector<16xf32> to vector<1x16xf32>
      tpu.vector_store %arg10[%swap3A_140, %swap3A_141], %swap3A_144 {strides = array<i32>} : memref<128x128xf32, #tpu.memory_space<vmem>>, vector<1x16xf32>,
      %mul3A_145 = arith.constant 2 : i32
      %mul3A_146 = arith.muli %add3A_73, %mul3A_145 : i32
      %add3A_147 = arith.constant 0 : i32
      %add3A_148 = arith.addi %mul3A_146, %add3A_147 : i32
      %swap3A_149 = arith.index_cast %add3A_148 : i32 to index
      %swap3A_150 = arith.constant 48 : index
      %swap3A_151 = tpu.vector_load %arg10[%swap3A_149, %swap3A_150] {strides = array<i32>} : memref<128x128xf32, #tpu.memory_space<vmem>>, vector<1x16xf32>,
      %swap3A_152 = vector.shape_cast %swap3A_151 : vector<1x16xf32> to vector<16xf32>
      %swap3A_153 = vector.shape_cast %scan3A_117#3 : vector<16xf32> to vector<1x16xf32>
      tpu.vector_store %arg10[%swap3A_149, %swap3A_150], %swap3A_153 {strides = array<i32>} : memref<128x128xf32, #tpu.memory_space<vmem>>, vector<1x16xf32>,
      %mul3A_154 = arith.constant 2 : i32
      %mul3A_155 = arith.muli %add3A_73, %mul3A_154 : i32
      %add3A_156 = arith.constant 0 : i32
      %add3A_157 = arith.addi %mul3A_155, %add3A_156 : i32
      %swap3A_158 = arith.index_cast %add3A_157 : i32 to index
      %swap3A_159 = arith.constant 64 : index
      %swap3A_160 = tpu.vector_load %arg10[%swap3A_158, %swap3A_159] {strides = array<i32>} : memref<128x128xf32, #tpu.memory_space<vmem>>, vector<1x16xf32>,
      %swap3A_161 = vector.shape_cast %swap3A_160 : vector<1x16xf32> to vector<16xf32>
      %swap3A_162 = vector.shape_cast %scan3A_117#4 : vector<16xf32> to vector<1x16xf32>
      tpu.vector_store %arg10[%swap3A_158, %swap3A_159], %swap3A_162 {strides = array<i32>} : memref<128x128xf32, #tpu.memory_space<vmem>>, vector<1x16xf32>,
      %mul3A_163 = arith.constant 2 : i32
      %mul3A_164 = arith.muli %add3A_73, %mul3A_163 : i32
      %add3A_165 = arith.constant 0 : i32
      %add3A_166 = arith.addi %mul3A_164, %add3A_165 : i32
      %swap3A_167 = arith.index_cast %add3A_166 : i32 to index
      %swap3A_168 = arith.constant 80 : index
      %swap3A_169 = tpu.vector_load %arg10[%swap3A_167, %swap3A_168] {strides = array<i32>} : memref<128x128xf32, #tpu.memory_space<vmem>>, vector<1x16xf32>,
      %swap3A_170 = vector.shape_cast %swap3A_169 : vector<1x16xf32> to vector<16xf32>
      %swap3A_171 = vector.shape_cast %scan3A_117#5 : vector<16xf32> to vector<1x16xf32>
      tpu.vector_store %arg10[%swap3A_167, %swap3A_168], %swap3A_171 {strides = array<i32>} : memref<128x128xf32, #tpu.memory_space<vmem>>, vector<1x16xf32>,
      %mul3A_172 = arith.constant 2 : i32
      %mul3A_173 = arith.muli %add3A_73, %mul3A_172 : i32
      %add3A_174 = arith.constant 0 : i32
      %add3A_175 = arith.addi %mul3A_173, %add3A_174 : i32
      %swap3A_176 = arith.index_cast %add3A_175 : i32 to index
      %swap3A_177 = arith.constant 96 : index
      %swap3A_178 = tpu.vector_load %arg10[%swap3A_176, %swap3A_177] {strides = array<i32>} : memref<128x128xf32, #tpu.memory_space<vmem>>, vector<1x16xf32>,
      %swap3A_179 = vector.shape_cast %swap3A_178 : vector<1x16xf32> to vector<16xf32>
      %swap3A_180 = vector.shape_cast %scan3A_117#6 : vector<16xf32> to vector<1x16xf32>
      tpu.vector_store %arg10[%swap3A_176, %swap3A_177], %swap3A_180 {strides = array<i32>} : memref<128x128xf32, #tpu.memory_space<vmem>>, vector<1x16xf32>,
      %mul3A_181 = arith.constant 2 : i32
      %mul3A_182 = arith.muli %add3A_73, %mul3A_181 : i32
      %add3A_183 = arith.constant 0 : i32
      %add3A_184 = arith.addi %mul3A_182, %add3A_183 : i32
      %swap3A_185 = arith.index_cast %add3A_184 : i32 to index
      %swap3A_186 = arith.constant 112 : index
      %swap3A_187 = tpu.vector_load %arg10[%swap3A_185, %swap3A_186] {strides = array<i32>} : memref<128x128xf32, #tpu.memory_space<vmem>>, vector<1x16xf32>,
      %swap3A_188 = vector.shape_cast %swap3A_187 : vector<1x16xf32> to vector<16xf32>
      %swap3A_189 = vector.shape_cast %scan3A_117#7 : vector<16xf32> to vector<1x16xf32>
      tpu.vector_store %arg10[%swap3A_185, %swap3A_186], %swap3A_189 {strides = array<i32>} : memref<128x128xf32, #tpu.memory_space<vmem>>, vector<1x16xf32>,
      %broadcast_in_dim3A_190 = arith.constant 0.000000e+00 : f32
      %broadcast_in_dim3A_191 = vector.broadcast %broadcast_in_dim3A_190 : f32 to vector<16xf32>
      %broadcast_in_dim3A_192 = arith.constant 0.000000e+00 : f32
      %broadcast_in_dim3A_193 = vector.broadcast %broadcast_in_dim3A_192 : f32 to vector<16xf32>
      %broadcast_in_dim3A_194 = arith.constant 0.000000e+00 : f32
      %broadcast_in_dim3A_195 = vector.broadcast %broadcast_in_dim3A_194 : f32 to vector<16xf32>
      %broadcast_in_dim3A_196 = arith.constant 0.000000e+00 : f32
      %broadcast_in_dim3A_197 = vector.broadcast %broadcast_in_dim3A_196 : f32 to vector<16xf32>
      %broadcast_in_dim3A_198 = arith.constant 0.000000e+00 : f32
      %broadcast_in_dim3A_199 = vector.broadcast %broadcast_in_dim3A_198 : f32 to vector<16xf32>
      %broadcast_in_dim3A_200 = arith.constant 0.000000e+00 : f32
      %broadcast_in_dim3A_201 = vector.broadcast %broadcast_in_dim3A_200 : f32 to vector<16xf32>
      %broadcast_in_dim3A_202 = arith.constant 0.000000e+00 : f32
      %broadcast_in_dim3A_203 = vector.broadcast %broadcast_in_dim3A_202 : f32 to vector<16xf32>
      %broadcast_in_dim3A_204 = arith.constant 0.000000e+00 : f32
      %broadcast_in_dim3A_205 = vector.broadcast %broadcast_in_dim3A_204 : f32 to vector<16xf32>
      %scan3A_206 = arith.constant 0 : i32
      %scan3A_207 = arith.constant 50 : i32
      %scan3A_208 = arith.addi %scan3A_206, %scan3A_207 : i32
      %scan3A_209 = arith.constant 1 : i32
      %scan3A_210:8 = scf.for %scan3A_941 = %scan3A_206 to %scan3A_208 step %scan3A_209 iter_args(%scan3A_942 = %broadcast_in_dim3A_191, %scan3A_943 = %broadcast_in_dim3A_193, %scan3A_944 = %broadcast_in_dim3A_195, %scan3A_945 = %broadcast_in_dim3A_197, %scan3A_946 = %broadcast_in_dim3A_199, %scan3A_947 = %broadcast_in_dim3A_201, %scan3A_948 = %broadcast_in_dim3A_203, %scan3A_949 = %broadcast_in_dim3A_205) -> (vector<16xf32>, vector<16xf32>, vector<16xf32>, vector<16xf32>, vector<16xf32>, vector<16xf32>, vector<16xf32>, vector<16xf32>)  : i32 {
        %add3A_950 = arith.constant 50 : i32
        %add3A_951 = arith.addi %add3A_950, %scan3A_941 : i32
        %get3A = arith.index_cast %add3A_951 : i32 to index
        %get3A_952 = arith.constant 0 : index
        %get3A_953 = tpu.vector_load %arg6[%get3A, %get3A_952] {strides = array<i32>} : memref<100x128xf32, #tpu.memory_space<vmem>>, vector<1x16xf32>,
        %get3A_954 = vector.shape_cast %get3A_953 : vector<1x16xf32> to vector<16xf32>
        %add3A_955 = arith.addf %scan3A_942, %get3A_954 : vector<16xf32>
        %add3A_956 = arith.constant 50 : i32
        %add3A_957 = arith.addi %add3A_956, %scan3A_941 : i32
        %get3A_958 = arith.index_cast %add3A_957 : i32 to index
        %get3A_959 = arith.constant 16 : index
        %get3A_960 = tpu.vector_load %arg6[%get3A_958, %get3A_959] {strides = array<i32>} : memref<100x128xf32, #tpu.memory_space<vmem>>, vector<1x16xf32>,
        %get3A_961 = vector.shape_cast %get3A_960 : vector<1x16xf32> to vector<16xf32>
        %add3A_962 = arith.addf %scan3A_943, %get3A_961 : vector<16xf32>
        %add3A_963 = arith.constant 50 : i32
        %add3A_964 = arith.addi %add3A_963, %scan3A_941 : i32
        %get3A_965 = arith.index_cast %add3A_964 : i32 to index
        %get3A_966 = arith.constant 32 : index
        %get3A_967 = tpu.vector_load %arg6[%get3A_965, %get3A_966] {strides = array<i32>} : memref<100x128xf32, #tpu.memory_space<vmem>>, vector<1x16xf32>,
        %get3A_968 = vector.shape_cast %get3A_967 : vector<1x16xf32> to vector<16xf32>
        %add3A_969 = arith.addf %scan3A_944, %get3A_968 : vector<16xf32>
        %add3A_970 = arith.constant 50 : i32
        %add3A_971 = arith.addi %add3A_970, %scan3A_941 : i32
        %get3A_972 = arith.index_cast %add3A_971 : i32 to index
        %get3A_973 = arith.constant 48 : index
        %get3A_974 = tpu.vector_load %arg6[%get3A_972, %get3A_973] {strides = array<i32>} : memref<100x128xf32, #tpu.memory_space<vmem>>, vector<1x16xf32>,
        %get3A_975 = vector.shape_cast %get3A_974 : vector<1x16xf32> to vector<16xf32>
        %add3A_976 = arith.addf %scan3A_945, %get3A_975 : vector<16xf32>
        %add3A_977 = arith.constant 50 : i32
        %add3A_978 = arith.addi %add3A_977, %scan3A_941 : i32
        %get3A_979 = arith.index_cast %add3A_978 : i32 to index
        %get3A_980 = arith.constant 64 : index
        %get3A_981 = tpu.vector_load %arg6[%get3A_979, %get3A_980] {strides = array<i32>} : memref<100x128xf32, #tpu.memory_space<vmem>>, vector<1x16xf32>,
        %get3A_982 = vector.shape_cast %get3A_981 : vector<1x16xf32> to vector<16xf32>
        %add3A_983 = arith.addf %scan3A_946, %get3A_982 : vector<16xf32>
        %add3A_984 = arith.constant 50 : i32
        %add3A_985 = arith.addi %add3A_984, %scan3A_941 : i32
        %get3A_986 = arith.index_cast %add3A_985 : i32 to index
        %get3A_987 = arith.constant 80 : index
        %get3A_988 = tpu.vector_load %arg6[%get3A_986, %get3A_987] {strides = array<i32>} : memref<100x128xf32, #tpu.memory_space<vmem>>, vector<1x16xf32>,
        %get3A_989 = vector.shape_cast %get3A_988 : vector<1x16xf32> to vector<16xf32>
        %add3A_990 = arith.addf %scan3A_947, %get3A_989 : vector<16xf32>
        %add3A_991 = arith.constant 50 : i32
        %add3A_992 = arith.addi %add3A_991, %scan3A_941 : i32
        %get3A_993 = arith.index_cast %add3A_992 : i32 to index
        %get3A_994 = arith.constant 96 : index
        %get3A_995 = tpu.vector_load %arg6[%get3A_993, %get3A_994] {strides = array<i32>} : memref<100x128xf32, #tpu.memory_space<vmem>>, vector<1x16xf32>,
        %get3A_996 = vector.shape_cast %get3A_995 : vector<1x16xf32> to vector<16xf32>
        %add3A_997 = arith.addf %scan3A_948, %get3A_996 : vector<16xf32>
        %add3A_998 = arith.constant 50 : i32
        %add3A_999 = arith.addi %add3A_998, %scan3A_941 : i32
        %get3A_1000 = arith.index_cast %add3A_999 : i32 to index
        %get3A_1001 = arith.constant 112 : index
        %get3A_1002 = tpu.vector_load %arg6[%get3A_1000, %get3A_1001] {strides = array<i32>} : memref<100x128xf32, #tpu.memory_space<vmem>>, vector<1x16xf32>,
        %get3A_1003 = vector.shape_cast %get3A_1002 : vector<1x16xf32> to vector<16xf32>
        %add3A_1004 = arith.addf %scan3A_949, %get3A_1003 : vector<16xf32>
        scf.yield %add3A_955, %add3A_962, %add3A_969, %add3A_976, %add3A_983, %add3A_990, %add3A_997, %add3A_1004 : vector<16xf32>, vector<16xf32>, vector<16xf32>, vector<16xf32>, vector<16xf32>, vector<16xf32>, vector<16xf32>, vector<16xf32>
      }
      %scan3A_211 = arith.constant 50 : i32
      %mul3A_212 = arith.constant 2 : i32
      %mul3A_213 = arith.muli %add3A_73, %mul3A_212 : i32
      %add3A_214 = arith.constant 1 : i32
      %add3A_215 = arith.addi %mul3A_213, %add3A_214 : i32
      %swap3A_216 = arith.index_cast %add3A_215 : i32 to index
      %swap3A_217 = arith.constant 0 : index
      %swap3A_218 = tpu.vector_load %arg10[%swap3A_216, %swap3A_217] {strides = array<i32>} : memref<128x128xf32, #tpu.memory_space<vmem>>, vector<1x16xf32>,
      %swap3A_219 = vector.shape_cast %swap3A_218 : vector<1x16xf32> to vector<16xf32>
      %swap3A_220 = vector.shape_cast %scan3A_210#0 : vector<16xf32> to vector<1x16xf32>
      tpu.vector_store %arg10[%swap3A_216, %swap3A_217], %swap3A_220 {strides = array<i32>} : memref<128x128xf32, #tpu.memory_space<vmem>>, vector<1x16xf32>,
      %mul3A_221 = arith.constant 2 : i32
      %mul3A_222 = arith.muli %add3A_73, %mul3A_221 : i32
      %add3A_223 = arith.constant 1 : i32
      %add3A_224 = arith.addi %mul3A_222, %add3A_223 : i32
      %swap3A_225 = arith.index_cast %add3A_224 : i32 to index
      %swap3A_226 = arith.constant 16 : index
      %swap3A_227 = tpu.vector_load %arg10[%swap3A_225, %swap3A_226] {strides = array<i32>} : memref<128x128xf32, #tpu.memory_space<vmem>>, vector<1x16xf32>,
      %swap3A_228 = vector.shape_cast %swap3A_227 : vector<1x16xf32> to vector<16xf32>
      %swap3A_229 = vector.shape_cast %scan3A_210#1 : vector<16xf32> to vector<1x16xf32>
      tpu.vector_store %arg10[%swap3A_225, %swap3A_226], %swap3A_229 {strides = array<i32>} : memref<128x128xf32, #tpu.memory_space<vmem>>, vector<1x16xf32>,
      %mul3A_230 = arith.constant 2 : i32
      %mul3A_231 = arith.muli %add3A_73, %mul3A_230 : i32
      %add3A_232 = arith.constant 1 : i32
      %add3A_233 = arith.addi %mul3A_231, %add3A_232 : i32
      %swap3A_234 = arith.index_cast %add3A_233 : i32 to index
      %swap3A_235 = arith.constant 32 : index
      %swap3A_236 = tpu.vector_load %arg10[%swap3A_234, %swap3A_235] {strides = array<i32>} : memref<128x128xf32, #tpu.memory_space<vmem>>, vector<1x16xf32>,
      %swap3A_237 = vector.shape_cast %swap3A_236 : vector<1x16xf32> to vector<16xf32>
      %swap3A_238 = vector.shape_cast %scan3A_210#2 : vector<16xf32> to vector<1x16xf32>
      tpu.vector_store %arg10[%swap3A_234, %swap3A_235], %swap3A_238 {strides = array<i32>} : memref<128x128xf32, #tpu.memory_space<vmem>>, vector<1x16xf32>,
      %mul3A_239 = arith.constant 2 : i32
      %mul3A_240 = arith.muli %add3A_73, %mul3A_239 : i32
      %add3A_241 = arith.constant 1 : i32
      %add3A_242 = arith.addi %mul3A_240, %add3A_241 : i32
      %swap3A_243 = arith.index_cast %add3A_242 : i32 to index
      %swap3A_244 = arith.constant 48 : index
      %swap3A_245 = tpu.vector_load %arg10[%swap3A_243, %swap3A_244] {strides = array<i32>} : memref<128x128xf32, #tpu.memory_space<vmem>>, vector<1x16xf32>,
      %swap3A_246 = vector.shape_cast %swap3A_245 : vector<1x16xf32> to vector<16xf32>
      %swap3A_247 = vector.shape_cast %scan3A_210#3 : vector<16xf32> to vector<1x16xf32>
      tpu.vector_store %arg10[%swap3A_243, %swap3A_244], %swap3A_247 {strides = array<i32>} : memref<128x128xf32, #tpu.memory_space<vmem>>, vector<1x16xf32>,
      %mul3A_248 = arith.constant 2 : i32
      %mul3A_249 = arith.muli %add3A_73, %mul3A_248 : i32
      %add3A_250 = arith.constant 1 : i32
      %add3A_251 = arith.addi %mul3A_249, %add3A_250 : i32
      %swap3A_252 = arith.index_cast %add3A_251 : i32 to index
      %swap3A_253 = arith.constant 64 : index
      %swap3A_254 = tpu.vector_load %arg10[%swap3A_252, %swap3A_253] {strides = array<i32>} : memref<128x128xf32, #tpu.memory_space<vmem>>, vector<1x16xf32>,
      %swap3A_255 = vector.shape_cast %swap3A_254 : vector<1x16xf32> to vector<16xf32>
      %swap3A_256 = vector.shape_cast %scan3A_210#4 : vector<16xf32> to vector<1x16xf32>
      tpu.vector_store %arg10[%swap3A_252, %swap3A_253], %swap3A_256 {strides = array<i32>} : memref<128x128xf32, #tpu.memory_space<vmem>>, vector<1x16xf32>,
      %mul3A_257 = arith.constant 2 : i32
      %mul3A_258 = arith.muli %add3A_73, %mul3A_257 : i32
      %add3A_259 = arith.constant 1 : i32
      %add3A_260 = arith.addi %mul3A_258, %add3A_259 : i32
      %swap3A_261 = arith.index_cast %add3A_260 : i32 to index
      %swap3A_262 = arith.constant 80 : index
      %swap3A_263 = tpu.vector_load %arg10[%swap3A_261, %swap3A_262] {strides = array<i32>} : memref<128x128xf32, #tpu.memory_space<vmem>>, vector<1x16xf32>,
      %swap3A_264 = vector.shape_cast %swap3A_263 : vector<1x16xf32> to vector<16xf32>
      %swap3A_265 = vector.shape_cast %scan3A_210#5 : vector<16xf32> to vector<1x16xf32>
      tpu.vector_store %arg10[%swap3A_261, %swap3A_262], %swap3A_265 {strides = array<i32>} : memref<128x128xf32, #tpu.memory_space<vmem>>, vector<1x16xf32>,
      %mul3A_266 = arith.constant 2 : i32
      %mul3A_267 = arith.muli %add3A_73, %mul3A_266 : i32
      %add3A_268 = arith.constant 1 : i32
      %add3A_269 = arith.addi %mul3A_267, %add3A_268 : i32
      %swap3A_270 = arith.index_cast %add3A_269 : i32 to index
      %swap3A_271 = arith.constant 96 : index
      %swap3A_272 = tpu.vector_load %arg10[%swap3A_270, %swap3A_271] {strides = array<i32>} : memref<128x128xf32, #tpu.memory_space<vmem>>, vector<1x16xf32>,
      %swap3A_273 = vector.shape_cast %swap3A_272 : vector<1x16xf32> to vector<16xf32>
      %swap3A_274 = vector.shape_cast %scan3A_210#6 : vector<16xf32> to vector<1x16xf32>
      tpu.vector_store %arg10[%swap3A_270, %swap3A_271], %swap3A_274 {strides = array<i32>} : memref<128x128xf32, #tpu.memory_space<vmem>>, vector<1x16xf32>,
      %mul3A_275 = arith.constant 2 : i32
      %mul3A_276 = arith.muli %add3A_73, %mul3A_275 : i32
      %add3A_277 = arith.constant 1 : i32
      %add3A_278 = arith.addi %mul3A_276, %add3A_277 : i32
      %swap3A_279 = arith.index_cast %add3A_278 : i32 to index
      %swap3A_280 = arith.constant 112 : index
      %swap3A_281 = tpu.vector_load %arg10[%swap3A_279, %swap3A_280] {strides = array<i32>} : memref<128x128xf32, #tpu.memory_space<vmem>>, vector<1x16xf32>,
      %swap3A_282 = vector.shape_cast %swap3A_281 : vector<1x16xf32> to vector<16xf32>
      %swap3A_283 = vector.shape_cast %scan3A_210#7 : vector<16xf32> to vector<1x16xf32>
      tpu.vector_store %arg10[%swap3A_279, %swap3A_280], %swap3A_283 {strides = array<i32>} : memref<128x128xf32, #tpu.memory_space<vmem>>, vector<1x16xf32>,
      %add3A_284 = arith.constant 1 : i32
      %add3A_285 = arith.addi %mul3A_71, %add3A_284 : i32
      %add3A_286 = arith.constant 4 : i32
      %add3A_287 = arith.addi %add3A_285, %add3A_286 : i32
      %sub3A_288 = arith.constant 1 : i32
      %sub3A_289 = arith.subi %add3A_287, %sub3A_288 : i32
      %lt3A_290 = arith.constant 64 : i32
      %lt3A_291 = arith.cmpi slt, %sub3A_289, %lt3A_290 : i32
      %convert_element_type3A_292 = arith.extui %lt3A_291 : i1 to i32
      %cond3A_293 = arith.constant 0 : i32
      %cond3A_294 = arith.cmpi ne, %convert_element_type3A_292, %cond3A_293 : i32
      scf.if %cond3A_294 {
        %mul3A_941 = arith.constant 2 : i32
        %mul3A_942 = arith.muli %mul3A_941, %sub3A_289 : i32
        %dma_start3A_943 = arith.constant 0 : i32
        %dma_start3A_944 = arith.constant 0 : i32
        %dma_start3A_945 = tpu.memref_slice %arg6[%dma_start3A_943, %dma_start3A_944] : memref<100x128xf32, #tpu.memory_space<vmem>> -> memref<50x128xf32, #tpu.memory_space<vmem>>
        %dma_start3A_946 = arith.constant 0 : i32
        %dma_start3A_947 = tpu.memref_slice %arg5[%mul3A_942, %dma_start3A_946] : memref<128x50xi32, #tpu.memory_space<vmem>> -> memref<1x50xi32, #tpu.memory_space<vmem>>
        %dma_start3A_948 = tpu.memref_squeeze %dma_start3A_947 : memref<1x50xi32, #tpu.memory_space<vmem>> -> memref<50xi32, #tpu.memory_space<vmem>>
        %dma_start3A_949 = arith.constant 0 : i32
        %dma_start3A_950 = arith.constant 0 : i32
        %dma_start3A_951 = tpu.memref_slice %arg2[%dma_start3A_949, %dma_start3A_950] : memref<100000x128xf32, #tpu.memory_space<hbm>> -> memref<100000x128xf32, #tpu.memory_space<hbm>>
        tpu.enqueue_indirect_dma source(%dma_start3A_951 : memref<100000x128xf32, #tpu.memory_space<hbm>>) target(%dma_start3A_945 : memref<50x128xf32, #tpu.memory_space<vmem>>) offsets(%dma_start3A_948 : memref<50xi32, #tpu.memory_space<vmem>>) semaphore(%arg11 : memref<!tpu.dma_semaphore, #tpu.memory_space<semaphore_mem>>)
        %mul3A_952 = arith.constant 2 : i32
        %mul3A_953 = arith.muli %mul3A_952, %sub3A_289 : i32
        %add3A_954 = arith.constant 1 : i32
        %add3A_955 = arith.addi %mul3A_953, %add3A_954 : i32
        %dma_start3A_956 = arith.constant 50 : i32
        %dma_start3A_957 = arith.constant 0 : i32
        %dma_start3A_958 = tpu.memref_slice %arg6[%dma_start3A_956, %dma_start3A_957] : memref<100x128xf32, #tpu.memory_space<vmem>> -> memref<50x128xf32, #tpu.memory_space<vmem>>
        %dma_start3A_959 = arith.constant 0 : i32
        %dma_start3A_960 = tpu.memref_slice %arg5[%add3A_955, %dma_start3A_959] : memref<128x50xi32, #tpu.memory_space<vmem>> -> memref<1x50xi32, #tpu.memory_space<vmem>>
        %dma_start3A_961 = tpu.memref_squeeze %dma_start3A_960 : memref<1x50xi32, #tpu.memory_space<vmem>> -> memref<50xi32, #tpu.memory_space<vmem>>
        %dma_start3A_962 = arith.constant 0 : i32
        %dma_start3A_963 = arith.constant 0 : i32
        %dma_start3A_964 = tpu.memref_slice %arg2[%dma_start3A_962, %dma_start3A_963] : memref<100000x128xf32, #tpu.memory_space<hbm>> -> memref<100000x128xf32, #tpu.memory_space<hbm>>
        tpu.enqueue_indirect_dma source(%dma_start3A_964 : memref<100000x128xf32, #tpu.memory_space<hbm>>) target(%dma_start3A_958 : memref<50x128xf32, #tpu.memory_space<vmem>>) offsets(%dma_start3A_961 : memref<50xi32, #tpu.memory_space<vmem>>) semaphore(%arg11 : memref<!tpu.dma_semaphore, #tpu.memory_space<semaphore_mem>>)
      } else {
      }
      %dma_wait3A_295 = arith.constant 0 : i32
      %dma_wait3A_296 = arith.constant 0 : i32
      %dma_wait3A_297 = arith.constant 0 : i32
      %dma_wait3A_298 = tpu.memref_slice %arg7[%dma_wait3A_296, %dma_wait3A_297] : memref<100x128xf32, #tpu.memory_space<vmem>> -> memref<50x128xf32, #tpu.memory_space<vmem>>
      %dma_wait3A_299 = arith.constant 0 : i32
      %dma_wait3A_300 = tpu.memref_slice %arg5[%dma_wait3A_295, %dma_wait3A_299] : memref<128x50xi32, #tpu.memory_space<vmem>> -> memref<1x50xi32, #tpu.memory_space<vmem>>
      %dma_wait3A_301 = tpu.memref_squeeze %dma_wait3A_300 : memref<1x50xi32, #tpu.memory_space<vmem>> -> memref<50xi32, #tpu.memory_space<vmem>>
      %dma_wait3A_302 = arith.constant 0 : i32
      %dma_wait3A_303 = arith.constant 0 : i32
      %dma_wait3A_304 = tpu.memref_slice %arg2[%dma_wait3A_302, %dma_wait3A_303] : memref<100000x128xf32, #tpu.memory_space<hbm>> -> memref<100000x128xf32, #tpu.memory_space<hbm>>
      tpu.wait_indirect_dma semaphore(%arg12 : memref<!tpu.dma_semaphore, #tpu.memory_space<semaphore_mem>>) src(%dma_wait3A_304 : memref<100000x128xf32, #tpu.memory_space<hbm>>) dst(%dma_wait3A_298 : memref<50x128xf32, #tpu.memory_space<vmem>>)
      %dma_wait3A_305 = arith.constant 0 : i32
      %dma_wait3A_306 = arith.constant 50 : i32
      %dma_wait3A_307 = arith.constant 0 : i32
      %dma_wait3A_308 = tpu.memref_slice %arg7[%dma_wait3A_306, %dma_wait3A_307] : memref<100x128xf32, #tpu.memory_space<vmem>> -> memref<50x128xf32, #tpu.memory_space<vmem>>
      %dma_wait3A_309 = arith.constant 0 : i32
      %dma_wait3A_310 = tpu.memref_slice %arg5[%dma_wait3A_305, %dma_wait3A_309] : memref<128x50xi32, #tpu.memory_space<vmem>> -> memref<1x50xi32, #tpu.memory_space<vmem>>
      %dma_wait3A_311 = tpu.memref_squeeze %dma_wait3A_310 : memref<1x50xi32, #tpu.memory_space<vmem>> -> memref<50xi32, #tpu.memory_space<vmem>>
      %dma_wait3A_312 = arith.constant 0 : i32
      %dma_wait3A_313 = arith.constant 0 : i32
      %dma_wait3A_314 = tpu.memref_slice %arg2[%dma_wait3A_312, %dma_wait3A_313] : memref<100000x128xf32, #tpu.memory_space<hbm>> -> memref<100000x128xf32, #tpu.memory_space<hbm>>
      tpu.wait_indirect_dma semaphore(%arg12 : memref<!tpu.dma_semaphore, #tpu.memory_space<semaphore_mem>>) src(%dma_wait3A_314 : memref<100000x128xf32, #tpu.memory_space<hbm>>) dst(%dma_wait3A_308 : memref<50x128xf32, #tpu.memory_space<vmem>>)
      %broadcast_in_dim3A_315 = arith.constant 0.000000e+00 : f32
      %broadcast_in_dim3A_316 = vector.broadcast %broadcast_in_dim3A_315 : f32 to vector<16xf32>
      %broadcast_in_dim3A_317 = arith.constant 0.000000e+00 : f32
      %broadcast_in_dim3A_318 = vector.broadcast %broadcast_in_dim3A_317 : f32 to vector<16xf32>
      %broadcast_in_dim3A_319 = arith.constant 0.000000e+00 : f32
      %broadcast_in_dim3A_320 = vector.broadcast %broadcast_in_dim3A_319 : f32 to vector<16xf32>
      %broadcast_in_dim3A_321 = arith.constant 0.000000e+00 : f32
      %broadcast_in_dim3A_322 = vector.broadcast %broadcast_in_dim3A_321 : f32 to vector<16xf32>
      %broadcast_in_dim3A_323 = arith.constant 0.000000e+00 : f32
      %broadcast_in_dim3A_324 = vector.broadcast %broadcast_in_dim3A_323 : f32 to vector<16xf32>
      %broadcast_in_dim3A_325 = arith.constant 0.000000e+00 : f32
      %broadcast_in_dim3A_326 = vector.broadcast %broadcast_in_dim3A_325 : f32 to vector<16xf32>
      %broadcast_in_dim3A_327 = arith.constant 0.000000e+00 : f32
      %broadcast_in_dim3A_328 = vector.broadcast %broadcast_in_dim3A_327 : f32 to vector<16xf32>
      %broadcast_in_dim3A_329 = arith.constant 0.000000e+00 : f32
      %broadcast_in_dim3A_330 = vector.broadcast %broadcast_in_dim3A_329 : f32 to vector<16xf32>
      %scan3A_331 = arith.constant 0 : i32
      %scan3A_332 = arith.constant 50 : i32
      %scan3A_333 = arith.addi %scan3A_331, %scan3A_332 : i32
      %scan3A_334 = arith.constant 1 : i32
      %scan3A_335:8 = scf.for %scan3A_941 = %scan3A_331 to %scan3A_333 step %scan3A_334 iter_args(%scan3A_942 = %broadcast_in_dim3A_316, %scan3A_943 = %broadcast_in_dim3A_318, %scan3A_944 = %broadcast_in_dim3A_320, %scan3A_945 = %broadcast_in_dim3A_322, %scan3A_946 = %broadcast_in_dim3A_324, %scan3A_947 = %broadcast_in_dim3A_326, %scan3A_948 = %broadcast_in_dim3A_328, %scan3A_949 = %broadcast_in_dim3A_330) -> (vector<16xf32>, vector<16xf32>, vector<16xf32>, vector<16xf32>, vector<16xf32>, vector<16xf32>, vector<16xf32>, vector<16xf32>)  : i32 {
        %add3A_950 = arith.constant 0 : i32
        %add3A_951 = arith.addi %add3A_950, %scan3A_941 : i32
        %get3A = arith.index_cast %add3A_951 : i32 to index
        %get3A_952 = arith.constant 0 : index
        %get3A_953 = tpu.vector_load %arg7[%get3A, %get3A_952] {strides = array<i32>} : memref<100x128xf32, #tpu.memory_space<vmem>>, vector<1x16xf32>,
        %get3A_954 = vector.shape_cast %get3A_953 : vector<1x16xf32> to vector<16xf32>
        %add3A_955 = arith.addf %scan3A_942, %get3A_954 : vector<16xf32>
        %add3A_956 = arith.constant 0 : i32
        %add3A_957 = arith.addi %add3A_956, %scan3A_941 : i32
        %get3A_958 = arith.index_cast %add3A_957 : i32 to index
        %get3A_959 = arith.constant 16 : index
        %get3A_960 = tpu.vector_load %arg7[%get3A_958, %get3A_959] {strides = array<i32>} : memref<100x128xf32, #tpu.memory_space<vmem>>, vector<1x16xf32>,
        %get3A_961 = vector.shape_cast %get3A_960 : vector<1x16xf32> to vector<16xf32>
        %add3A_962 = arith.addf %scan3A_943, %get3A_961 : vector<16xf32>
        %add3A_963 = arith.constant 0 : i32
        %add3A_964 = arith.addi %add3A_963, %scan3A_941 : i32
        %get3A_965 = arith.index_cast %add3A_964 : i32 to index
        %get3A_966 = arith.constant 32 : index
        %get3A_967 = tpu.vector_load %arg7[%get3A_965, %get3A_966] {strides = array<i32>} : memref<100x128xf32, #tpu.memory_space<vmem>>, vector<1x16xf32>,
        %get3A_968 = vector.shape_cast %get3A_967 : vector<1x16xf32> to vector<16xf32>
        %add3A_969 = arith.addf %scan3A_944, %get3A_968 : vector<16xf32>
        %add3A_970 = arith.constant 0 : i32
        %add3A_971 = arith.addi %add3A_970, %scan3A_941 : i32
        %get3A_972 = arith.index_cast %add3A_971 : i32 to index
        %get3A_973 = arith.constant 48 : index
        %get3A_974 = tpu.vector_load %arg7[%get3A_972, %get3A_973] {strides = array<i32>} : memref<100x128xf32, #tpu.memory_space<vmem>>, vector<1x16xf32>,
        %get3A_975 = vector.shape_cast %get3A_974 : vector<1x16xf32> to vector<16xf32>
        %add3A_976 = arith.addf %scan3A_945, %get3A_975 : vector<16xf32>
        %add3A_977 = arith.constant 0 : i32
        %add3A_978 = arith.addi %add3A_977, %scan3A_941 : i32
        %get3A_979 = arith.index_cast %add3A_978 : i32 to index
        %get3A_980 = arith.constant 64 : index
        %get3A_981 = tpu.vector_load %arg7[%get3A_979, %get3A_980] {strides = array<i32>} : memref<100x128xf32, #tpu.memory_space<vmem>>, vector<1x16xf32>,
        %get3A_982 = vector.shape_cast %get3A_981 : vector<1x16xf32> to vector<16xf32>
        %add3A_983 = arith.addf %scan3A_946, %get3A_982 : vector<16xf32>
        %add3A_984 = arith.constant 0 : i32
        %add3A_985 = arith.addi %add3A_984, %scan3A_941 : i32
        %get3A_986 = arith.index_cast %add3A_985 : i32 to index
        %get3A_987 = arith.constant 80 : index
        %get3A_988 = tpu.vector_load %arg7[%get3A_986, %get3A_987] {strides = array<i32>} : memref<100x128xf32, #tpu.memory_space<vmem>>, vector<1x16xf32>,
        %get3A_989 = vector.shape_cast %get3A_988 : vector<1x16xf32> to vector<16xf32>
        %add3A_990 = arith.addf %scan3A_947, %get3A_989 : vector<16xf32>
        %add3A_991 = arith.constant 0 : i32
        %add3A_992 = arith.addi %add3A_991, %scan3A_941 : i32
        %get3A_993 = arith.index_cast %add3A_992 : i32 to index
        %get3A_994 = arith.constant 96 : index
        %get3A_995 = tpu.vector_load %arg7[%get3A_993, %get3A_994] {strides = array<i32>} : memref<100x128xf32, #tpu.memory_space<vmem>>, vector<1x16xf32>,
        %get3A_996 = vector.shape_cast %get3A_995 : vector<1x16xf32> to vector<16xf32>
        %add3A_997 = arith.addf %scan3A_948, %get3A_996 : vector<16xf32>
        %add3A_998 = arith.constant 0 : i32
        %add3A_999 = arith.addi %add3A_998, %scan3A_941 : i32
        %get3A_1000 = arith.index_cast %add3A_999 : i32 to index
        %get3A_1001 = arith.constant 112 : index
        %get3A_1002 = tpu.vector_load %arg7[%get3A_1000, %get3A_1001] {strides = array<i32>} : memref<100x128xf32, #tpu.memory_space<vmem>>, vector<1x16xf32>,
        %get3A_1003 = vector.shape_cast %get3A_1002 : vector<1x16xf32> to vector<16xf32>
        %add3A_1004 = arith.addf %scan3A_949, %get3A_1003 : vector<16xf32>
        scf.yield %add3A_955, %add3A_962, %add3A_969, %add3A_976, %add3A_983, %add3A_990, %add3A_997, %add3A_1004 : vector<16xf32>, vector<16xf32>, vector<16xf32>, vector<16xf32>, vector<16xf32>, vector<16xf32>, vector<16xf32>, vector<16xf32>
      }
      %scan3A_336 = arith.constant 50 : i32
      %mul3A_337 = arith.constant 2 : i32
      %mul3A_338 = arith.muli %add3A_285, %mul3A_337 : i32
      %add3A_339 = arith.constant 0 : i32
      %add3A_340 = arith.addi %mul3A_338, %add3A_339 : i32
      %swap3A_341 = arith.index_cast %add3A_340 : i32 to index
      %swap3A_342 = arith.constant 0 : index
      %swap3A_343 = tpu.vector_load %arg10[%swap3A_341, %swap3A_342] {strides = array<i32>} : memref<128x128xf32, #tpu.memory_space<vmem>>, vector<1x16xf32>,
      %swap3A_344 = vector.shape_cast %swap3A_343 : vector<1x16xf32> to vector<16xf32>
      %swap3A_345 = vector.shape_cast %scan3A_335#0 : vector<16xf32> to vector<1x16xf32>
      tpu.vector_store %arg10[%swap3A_341, %swap3A_342], %swap3A_345 {strides = array<i32>} : memref<128x128xf32, #tpu.memory_space<vmem>>, vector<1x16xf32>,
      %mul3A_346 = arith.constant 2 : i32
      %mul3A_347 = arith.muli %add3A_285, %mul3A_346 : i32
      %add3A_348 = arith.constant 0 : i32
      %add3A_349 = arith.addi %mul3A_347, %add3A_348 : i32
      %swap3A_350 = arith.index_cast %add3A_349 : i32 to index
      %swap3A_351 = arith.constant 16 : index
      %swap3A_352 = tpu.vector_load %arg10[%swap3A_350, %swap3A_351] {strides = array<i32>} : memref<128x128xf32, #tpu.memory_space<vmem>>, vector<1x16xf32>,
      %swap3A_353 = vector.shape_cast %swap3A_352 : vector<1x16xf32> to vector<16xf32>
      %swap3A_354 = vector.shape_cast %scan3A_335#1 : vector<16xf32> to vector<1x16xf32>
      tpu.vector_store %arg10[%swap3A_350, %swap3A_351], %swap3A_354 {strides = array<i32>} : memref<128x128xf32, #tpu.memory_space<vmem>>, vector<1x16xf32>,
      %mul3A_355 = arith.constant 2 : i32
      %mul3A_356 = arith.muli %add3A_285, %mul3A_355 : i32
      %add3A_357 = arith.constant 0 : i32
      %add3A_358 = arith.addi %mul3A_356, %add3A_357 : i32
      %swap3A_359 = arith.index_cast %add3A_358 : i32 to index
      %swap3A_360 = arith.constant 32 : index
      %swap3A_361 = tpu.vector_load %arg10[%swap3A_359, %swap3A_360] {strides = array<i32>} : memref<128x128xf32, #tpu.memory_space<vmem>>, vector<1x16xf32>,
      %swap3A_362 = vector.shape_cast %swap3A_361 : vector<1x16xf32> to vector<16xf32>
      %swap3A_363 = vector.shape_cast %scan3A_335#2 : vector<16xf32> to vector<1x16xf32>
      tpu.vector_store %arg10[%swap3A_359, %swap3A_360], %swap3A_363 {strides = array<i32>} : memref<128x128xf32, #tpu.memory_space<vmem>>, vector<1x16xf32>,
      %mul3A_364 = arith.constant 2 : i32
      %mul3A_365 = arith.muli %add3A_285, %mul3A_364 : i32
      %add3A_366 = arith.constant 0 : i32
      %add3A_367 = arith.addi %mul3A_365, %add3A_366 : i32
      %swap3A_368 = arith.index_cast %add3A_367 : i32 to index
      %swap3A_369 = arith.constant 48 : index
      %swap3A_370 = tpu.vector_load %arg10[%swap3A_368, %swap3A_369] {strides = array<i32>} : memref<128x128xf32, #tpu.memory_space<vmem>>, vector<1x16xf32>,
      %swap3A_371 = vector.shape_cast %swap3A_370 : vector<1x16xf32> to vector<16xf32>
      %swap3A_372 = vector.shape_cast %scan3A_335#3 : vector<16xf32> to vector<1x16xf32>
      tpu.vector_store %arg10[%swap3A_368, %swap3A_369], %swap3A_372 {strides = array<i32>} : memref<128x128xf32, #tpu.memory_space<vmem>>, vector<1x16xf32>,
      %mul3A_373 = arith.constant 2 : i32
      %mul3A_374 = arith.muli %add3A_285, %mul3A_373 : i32
      %add3A_375 = arith.constant 0 : i32
      %add3A_376 = arith.addi %mul3A_374, %add3A_375 : i32
      %swap3A_377 = arith.index_cast %add3A_376 : i32 to index
      %swap3A_378 = arith.constant 64 : index
      %swap3A_379 = tpu.vector_load %arg10[%swap3A_377, %swap3A_378] {strides = array<i32>} : memref<128x128xf32, #tpu.memory_space<vmem>>, vector<1x16xf32>,
      %swap3A_380 = vector.shape_cast %swap3A_379 : vector<1x16xf32> to vector<16xf32>
      %swap3A_381 = vector.shape_cast %scan3A_335#4 : vector<16xf32> to vector<1x16xf32>
      tpu.vector_store %arg10[%swap3A_377, %swap3A_378], %swap3A_381 {strides = array<i32>} : memref<128x128xf32, #tpu.memory_space<vmem>>, vector<1x16xf32>,
      %mul3A_382 = arith.constant 2 : i32
      %mul3A_383 = arith.muli %add3A_285, %mul3A_382 : i32
      %add3A_384 = arith.constant 0 : i32
      %add3A_385 = arith.addi %mul3A_383, %add3A_384 : i32
      %swap3A_386 = arith.index_cast %add3A_385 : i32 to index
      %swap3A_387 = arith.constant 80 : index
      %swap3A_388 = tpu.vector_load %arg10[%swap3A_386, %swap3A_387] {strides = array<i32>} : memref<128x128xf32, #tpu.memory_space<vmem>>, vector<1x16xf32>,
      %swap3A_389 = vector.shape_cast %swap3A_388 : vector<1x16xf32> to vector<16xf32>
      %swap3A_390 = vector.shape_cast %scan3A_335#5 : vector<16xf32> to vector<1x16xf32>
      tpu.vector_store %arg10[%swap3A_386, %swap3A_387], %swap3A_390 {strides = array<i32>} : memref<128x128xf32, #tpu.memory_space<vmem>>, vector<1x16xf32>,
      %mul3A_391 = arith.constant 2 : i32
      %mul3A_392 = arith.muli %add3A_285, %mul3A_391 : i32
      %add3A_393 = arith.constant 0 : i32
      %add3A_394 = arith.addi %mul3A_392, %add3A_393 : i32
      %swap3A_395 = arith.index_cast %add3A_394 : i32 to index
      %swap3A_396 = arith.constant 96 : index
      %swap3A_397 = tpu.vector_load %arg10[%swap3A_395, %swap3A_396] {strides = array<i32>} : memref<128x128xf32, #tpu.memory_space<vmem>>, vector<1x16xf32>,
      %swap3A_398 = vector.shape_cast %swap3A_397 : vector<1x16xf32> to vector<16xf32>
      %swap3A_399 = vector.shape_cast %scan3A_335#6 : vector<16xf32> to vector<1x16xf32>
      tpu.vector_store %arg10[%swap3A_395, %swap3A_396], %swap3A_399 {strides = array<i32>} : memref<128x128xf32, #tpu.memory_space<vmem>>, vector<1x16xf32>,
      %mul3A_400 = arith.constant 2 : i32
      %mul3A_401 = arith.muli %add3A_285, %mul3A_400 : i32
      %add3A_402 = arith.constant 0 : i32
      %add3A_403 = arith.addi %mul3A_401, %add3A_402 : i32
      %swap3A_404 = arith.index_cast %add3A_403 : i32 to index
      %swap3A_405 = arith.constant 112 : index
      %swap3A_406 = tpu.vector_load %arg10[%swap3A_404, %swap3A_405] {strides = array<i32>} : memref<128x128xf32, #tpu.memory_space<vmem>>, vector<1x16xf32>,
      %swap3A_407 = vector.shape_cast %swap3A_406 : vector<1x16xf32> to vector<16xf32>
      %swap3A_408 = vector.shape_cast %scan3A_335#7 : vector<16xf32> to vector<1x16xf32>
      tpu.vector_store %arg10[%swap3A_404, %swap3A_405], %swap3A_408 {strides = array<i32>} : memref<128x128xf32, #tpu.memory_space<vmem>>, vector<1x16xf32>,
      %broadcast_in_dim3A_409 = arith.constant 0.000000e+00 : f32
      %broadcast_in_dim3A_410 = vector.broadcast %broadcast_in_dim3A_409 : f32 to vector<16xf32>
      %broadcast_in_dim3A_411 = arith.constant 0.000000e+00 : f32
      %broadcast_in_dim3A_412 = vector.broadcast %broadcast_in_dim3A_411 : f32 to vector<16xf32>
      %broadcast_in_dim3A_413 = arith.constant 0.000000e+00 : f32
      %broadcast_in_dim3A_414 = vector.broadcast %broadcast_in_dim3A_413 : f32 to vector<16xf32>
      %broadcast_in_dim3A_415 = arith.constant 0.000000e+00 : f32
      %broadcast_in_dim3A_416 = vector.broadcast %broadcast_in_dim3A_415 : f32 to vector<16xf32>
      %broadcast_in_dim3A_417 = arith.constant 0.000000e+00 : f32
      %broadcast_in_dim3A_418 = vector.broadcast %broadcast_in_dim3A_417 : f32 to vector<16xf32>
      %broadcast_in_dim3A_419 = arith.constant 0.000000e+00 : f32
      %broadcast_in_dim3A_420 = vector.broadcast %broadcast_in_dim3A_419 : f32 to vector<16xf32>
      %broadcast_in_dim3A_421 = arith.constant 0.000000e+00 : f32
      %broadcast_in_dim3A_422 = vector.broadcast %broadcast_in_dim3A_421 : f32 to vector<16xf32>
      %broadcast_in_dim3A_423 = arith.constant 0.000000e+00 : f32
      %broadcast_in_dim3A_424 = vector.broadcast %broadcast_in_dim3A_423 : f32 to vector<16xf32>
      %scan3A_425 = arith.constant 0 : i32
      %scan3A_426 = arith.constant 50 : i32
      %scan3A_427 = arith.addi %scan3A_425, %scan3A_426 : i32
      %scan3A_428 = arith.constant 1 : i32
      %scan3A_429:8 = scf.for %scan3A_941 = %scan3A_425 to %scan3A_427 step %scan3A_428 iter_args(%scan3A_942 = %broadcast_in_dim3A_410, %scan3A_943 = %broadcast_in_dim3A_412, %scan3A_944 = %broadcast_in_dim3A_414, %scan3A_945 = %broadcast_in_dim3A_416, %scan3A_946 = %broadcast_in_dim3A_418, %scan3A_947 = %broadcast_in_dim3A_420, %scan3A_948 = %broadcast_in_dim3A_422, %scan3A_949 = %broadcast_in_dim3A_424) -> (vector<16xf32>, vector<16xf32>, vector<16xf32>, vector<16xf32>, vector<16xf32>, vector<16xf32>, vector<16xf32>, vector<16xf32>)  : i32 {
        %add3A_950 = arith.constant 50 : i32
        %add3A_951 = arith.addi %add3A_950, %scan3A_941 : i32
        %get3A = arith.index_cast %add3A_951 : i32 to index
        %get3A_952 = arith.constant 0 : index
        %get3A_953 = tpu.vector_load %arg7[%get3A, %get3A_952] {strides = array<i32>} : memref<100x128xf32, #tpu.memory_space<vmem>>, vector<1x16xf32>,
        %get3A_954 = vector.shape_cast %get3A_953 : vector<1x16xf32> to vector<16xf32>
        %add3A_955 = arith.addf %scan3A_942, %get3A_954 : vector<16xf32>
        %add3A_956 = arith.constant 50 : i32
        %add3A_957 = arith.addi %add3A_956, %scan3A_941 : i32
        %get3A_958 = arith.index_cast %add3A_957 : i32 to index
        %get3A_959 = arith.constant 16 : index
        %get3A_960 = tpu.vector_load %arg7[%get3A_958, %get3A_959] {strides = array<i32>} : memref<100x128xf32, #tpu.memory_space<vmem>>, vector<1x16xf32>,
        %get3A_961 = vector.shape_cast %get3A_960 : vector<1x16xf32> to vector<16xf32>
        %add3A_962 = arith.addf %scan3A_943, %get3A_961 : vector<16xf32>
        %add3A_963 = arith.constant 50 : i32
        %add3A_964 = arith.addi %add3A_963, %scan3A_941 : i32
        %get3A_965 = arith.index_cast %add3A_964 : i32 to index
        %get3A_966 = arith.constant 32 : index
        %get3A_967 = tpu.vector_load %arg7[%get3A_965, %get3A_966] {strides = array<i32>} : memref<100x128xf32, #tpu.memory_space<vmem>>, vector<1x16xf32>,
        %get3A_968 = vector.shape_cast %get3A_967 : vector<1x16xf32> to vector<16xf32>
        %add3A_969 = arith.addf %scan3A_944, %get3A_968 : vector<16xf32>
        %add3A_970 = arith.constant 50 : i32
        %add3A_971 = arith.addi %add3A_970, %scan3A_941 : i32
        %get3A_972 = arith.index_cast %add3A_971 : i32 to index
        %get3A_973 = arith.constant 48 : index
        %get3A_974 = tpu.vector_load %arg7[%get3A_972, %get3A_973] {strides = array<i32>} : memref<100x128xf32, #tpu.memory_space<vmem>>, vector<1x16xf32>,
        %get3A_975 = vector.shape_cast %get3A_974 : vector<1x16xf32> to vector<16xf32>
        %add3A_976 = arith.addf %scan3A_945, %get3A_975 : vector<16xf32>
        %add3A_977 = arith.constant 50 : i32
        %add3A_978 = arith.addi %add3A_977, %scan3A_941 : i32
        %get3A_979 = arith.index_cast %add3A_978 : i32 to index
        %get3A_980 = arith.constant 64 : index
        %get3A_981 = tpu.vector_load %arg7[%get3A_979, %get3A_980] {strides = array<i32>} : memref<100x128xf32, #tpu.memory_space<vmem>>, vector<1x16xf32>,
        %get3A_982 = vector.shape_cast %get3A_981 : vector<1x16xf32> to vector<16xf32>
        %add3A_983 = arith.addf %scan3A_946, %get3A_982 : vector<16xf32>
        %add3A_984 = arith.constant 50 : i32
        %add3A_985 = arith.addi %add3A_984, %scan3A_941 : i32
        %get3A_986 = arith.index_cast %add3A_985 : i32 to index
        %get3A_987 = arith.constant 80 : index
        %get3A_988 = tpu.vector_load %arg7[%get3A_986, %get3A_987] {strides = array<i32>} : memref<100x128xf32, #tpu.memory_space<vmem>>, vector<1x16xf32>,
        %get3A_989 = vector.shape_cast %get3A_988 : vector<1x16xf32> to vector<16xf32>
        %add3A_990 = arith.addf %scan3A_947, %get3A_989 : vector<16xf32>
        %add3A_991 = arith.constant 50 : i32
        %add3A_992 = arith.addi %add3A_991, %scan3A_941 : i32
        %get3A_993 = arith.index_cast %add3A_992 : i32 to index
        %get3A_994 = arith.constant 96 : index
        %get3A_995 = tpu.vector_load %arg7[%get3A_993, %get3A_994] {strides = array<i32>} : memref<100x128xf32, #tpu.memory_space<vmem>>, vector<1x16xf32>,
        %get3A_996 = vector.shape_cast %get3A_995 : vector<1x16xf32> to vector<16xf32>
        %add3A_997 = arith.addf %scan3A_948, %get3A_996 : vector<16xf32>
        %add3A_998 = arith.constant 50 : i32
        %add3A_999 = arith.addi %add3A_998, %scan3A_941 : i32
        %get3A_1000 = arith.index_cast %add3A_999 : i32 to index
        %get3A_1001 = arith.constant 112 : index
        %get3A_1002 = tpu.vector_load %arg7[%get3A_1000, %get3A_1001] {strides = array<i32>} : memref<100x128xf32, #tpu.memory_space<vmem>>, vector<1x16xf32>,
        %get3A_1003 = vector.shape_cast %get3A_1002 : vector<1x16xf32> to vector<16xf32>
        %add3A_1004 = arith.addf %scan3A_949, %get3A_1003 : vector<16xf32>
        scf.yield %add3A_955, %add3A_962, %add3A_969, %add3A_976, %add3A_983, %add3A_990, %add3A_997, %add3A_1004 : vector<16xf32>, vector<16xf32>, vector<16xf32>, vector<16xf32>, vector<16xf32>, vector<16xf32>, vector<16xf32>, vector<16xf32>
      }
      %scan3A_430 = arith.constant 50 : i32
      %mul3A_431 = arith.constant 2 : i32
      %mul3A_432 = arith.muli %add3A_285, %mul3A_431 : i32
      %add3A_433 = arith.constant 1 : i32
      %add3A_434 = arith.addi %mul3A_432, %add3A_433 : i32
      %swap3A_435 = arith.index_cast %add3A_434 : i32 to index
      %swap3A_436 = arith.constant 0 : index
      %swap3A_437 = tpu.vector_load %arg10[%swap3A_435, %swap3A_436] {strides = array<i32>} : memref<128x128xf32, #tpu.memory_space<vmem>>, vector<1x16xf32>,
      %swap3A_438 = vector.shape_cast %swap3A_437 : vector<1x16xf32> to vector<16xf32>
      %swap3A_439 = vector.shape_cast %scan3A_429#0 : vector<16xf32> to vector<1x16xf32>
      tpu.vector_store %arg10[%swap3A_435, %swap3A_436], %swap3A_439 {strides = array<i32>} : memref<128x128xf32, #tpu.memory_space<vmem>>, vector<1x16xf32>,
      %mul3A_440 = arith.constant 2 : i32
      %mul3A_441 = arith.muli %add3A_285, %mul3A_440 : i32
      %add3A_442 = arith.constant 1 : i32
      %add3A_443 = arith.addi %mul3A_441, %add3A_442 : i32
      %swap3A_444 = arith.index_cast %add3A_443 : i32 to index
      %swap3A_445 = arith.constant 16 : index
      %swap3A_446 = tpu.vector_load %arg10[%swap3A_444, %swap3A_445] {strides = array<i32>} : memref<128x128xf32, #tpu.memory_space<vmem>>, vector<1x16xf32>,
      %swap3A_447 = vector.shape_cast %swap3A_446 : vector<1x16xf32> to vector<16xf32>
      %swap3A_448 = vector.shape_cast %scan3A_429#1 : vector<16xf32> to vector<1x16xf32>
      tpu.vector_store %arg10[%swap3A_444, %swap3A_445], %swap3A_448 {strides = array<i32>} : memref<128x128xf32, #tpu.memory_space<vmem>>, vector<1x16xf32>,
      %mul3A_449 = arith.constant 2 : i32
      %mul3A_450 = arith.muli %add3A_285, %mul3A_449 : i32
      %add3A_451 = arith.constant 1 : i32
      %add3A_452 = arith.addi %mul3A_450, %add3A_451 : i32
      %swap3A_453 = arith.index_cast %add3A_452 : i32 to index
      %swap3A_454 = arith.constant 32 : index
      %swap3A_455 = tpu.vector_load %arg10[%swap3A_453, %swap3A_454] {strides = array<i32>} : memref<128x128xf32, #tpu.memory_space<vmem>>, vector<1x16xf32>,
      %swap3A_456 = vector.shape_cast %swap3A_455 : vector<1x16xf32> to vector<16xf32>
      %swap3A_457 = vector.shape_cast %scan3A_429#2 : vector<16xf32> to vector<1x16xf32>
      tpu.vector_store %arg10[%swap3A_453, %swap3A_454], %swap3A_457 {strides = array<i32>} : memref<128x128xf32, #tpu.memory_space<vmem>>, vector<1x16xf32>,
      %mul3A_458 = arith.constant 2 : i32
      %mul3A_459 = arith.muli %add3A_285, %mul3A_458 : i32
      %add3A_460 = arith.constant 1 : i32
      %add3A_461 = arith.addi %mul3A_459, %add3A_460 : i32
      %swap3A_462 = arith.index_cast %add3A_461 : i32 to index
      %swap3A_463 = arith.constant 48 : index
      %swap3A_464 = tpu.vector_load %arg10[%swap3A_462, %swap3A_463] {strides = array<i32>} : memref<128x128xf32, #tpu.memory_space<vmem>>, vector<1x16xf32>,
      %swap3A_465 = vector.shape_cast %swap3A_464 : vector<1x16xf32> to vector<16xf32>
      %swap3A_466 = vector.shape_cast %scan3A_429#3 : vector<16xf32> to vector<1x16xf32>
      tpu.vector_store %arg10[%swap3A_462, %swap3A_463], %swap3A_466 {strides = array<i32>} : memref<128x128xf32, #tpu.memory_space<vmem>>, vector<1x16xf32>,
      %mul3A_467 = arith.constant 2 : i32
      %mul3A_468 = arith.muli %add3A_285, %mul3A_467 : i32
      %add3A_469 = arith.constant 1 : i32
      %add3A_470 = arith.addi %mul3A_468, %add3A_469 : i32
      %swap3A_471 = arith.index_cast %add3A_470 : i32 to index
      %swap3A_472 = arith.constant 64 : index
      %swap3A_473 = tpu.vector_load %arg10[%swap3A_471, %swap3A_472] {strides = array<i32>} : memref<128x128xf32, #tpu.memory_space<vmem>>, vector<1x16xf32>,
      %swap3A_474 = vector.shape_cast %swap3A_473 : vector<1x16xf32> to vector<16xf32>
      %swap3A_475 = vector.shape_cast %scan3A_429#4 : vector<16xf32> to vector<1x16xf32>
      tpu.vector_store %arg10[%swap3A_471, %swap3A_472], %swap3A_475 {strides = array<i32>} : memref<128x128xf32, #tpu.memory_space<vmem>>, vector<1x16xf32>,
      %mul3A_476 = arith.constant 2 : i32
      %mul3A_477 = arith.muli %add3A_285, %mul3A_476 : i32
      %add3A_478 = arith.constant 1 : i32
      %add3A_479 = arith.addi %mul3A_477, %add3A_478 : i32
      %swap3A_480 = arith.index_cast %add3A_479 : i32 to index
      %swap3A_481 = arith.constant 80 : index
      %swap3A_482 = tpu.vector_load %arg10[%swap3A_480, %swap3A_481] {strides = array<i32>} : memref<128x128xf32, #tpu.memory_space<vmem>>, vector<1x16xf32>,
      %swap3A_483 = vector.shape_cast %swap3A_482 : vector<1x16xf32> to vector<16xf32>
      %swap3A_484 = vector.shape_cast %scan3A_429#5 : vector<16xf32> to vector<1x16xf32>
      tpu.vector_store %arg10[%swap3A_480, %swap3A_481], %swap3A_484 {strides = array<i32>} : memref<128x128xf32, #tpu.memory_space<vmem>>, vector<1x16xf32>,
      %mul3A_485 = arith.constant 2 : i32
      %mul3A_486 = arith.muli %add3A_285, %mul3A_485 : i32
      %add3A_487 = arith.constant 1 : i32
      %add3A_488 = arith.addi %mul3A_486, %add3A_487 : i32
      %swap3A_489 = arith.index_cast %add3A_488 : i32 to index
      %swap3A_490 = arith.constant 96 : index
      %swap3A_491 = tpu.vector_load %arg10[%swap3A_489, %swap3A_490] {strides = array<i32>} : memref<128x128xf32, #tpu.memory_space<vmem>>, vector<1x16xf32>,
      %swap3A_492 = vector.shape_cast %swap3A_491 : vector<1x16xf32> to vector<16xf32>
      %swap3A_493 = vector.shape_cast %scan3A_429#6 : vector<16xf32> to vector<1x16xf32>
      tpu.vector_store %arg10[%swap3A_489, %swap3A_490], %swap3A_493 {strides = array<i32>} : memref<128x128xf32, #tpu.memory_space<vmem>>, vector<1x16xf32>,
      %mul3A_494 = arith.constant 2 : i32
      %mul3A_495 = arith.muli %add3A_285, %mul3A_494 : i32
      %add3A_496 = arith.constant 1 : i32
      %add3A_497 = arith.addi %mul3A_495, %add3A_496 : i32
      %swap3A_498 = arith.index_cast %add3A_497 : i32 to index
      %swap3A_499 = arith.constant 112 : index
      %swap3A_500 = tpu.vector_load %arg10[%swap3A_498, %swap3A_499] {strides = array<i32>} : memref<128x128xf32, #tpu.memory_space<vmem>>, vector<1x16xf32>,
      %swap3A_501 = vector.shape_cast %swap3A_500 : vector<1x16xf32> to vector<16xf32>
      %swap3A_502 = vector.shape_cast %scan3A_429#7 : vector<16xf32> to vector<1x16xf32>
      tpu.vector_store %arg10[%swap3A_498, %swap3A_499], %swap3A_502 {strides = array<i32>} : memref<128x128xf32, #tpu.memory_space<vmem>>, vector<1x16xf32>,
      %add3A_503 = arith.constant 2 : i32
      %add3A_504 = arith.addi %mul3A_71, %add3A_503 : i32
      %add3A_505 = arith.constant 4 : i32
      %add3A_506 = arith.addi %add3A_504, %add3A_505 : i32
      %sub3A_507 = arith.constant 1 : i32
      %sub3A_508 = arith.subi %add3A_506, %sub3A_507 : i32
      %lt3A_509 = arith.constant 64 : i32
      %lt3A_510 = arith.cmpi slt, %sub3A_508, %lt3A_509 : i32
      %convert_element_type3A_511 = arith.extui %lt3A_510 : i1 to i32
      %cond3A_512 = arith.constant 0 : i32
      %cond3A_513 = arith.cmpi ne, %convert_element_type3A_511, %cond3A_512 : i32
      scf.if %cond3A_513 {
        %mul3A_941 = arith.constant 2 : i32
        %mul3A_942 = arith.muli %mul3A_941, %sub3A_508 : i32
        %dma_start3A_943 = arith.constant 0 : i32
        %dma_start3A_944 = arith.constant 0 : i32
        %dma_start3A_945 = tpu.memref_slice %arg7[%dma_start3A_943, %dma_start3A_944] : memref<100x128xf32, #tpu.memory_space<vmem>> -> memref<50x128xf32, #tpu.memory_space<vmem>>
        %dma_start3A_946 = arith.constant 0 : i32
        %dma_start3A_947 = tpu.memref_slice %arg5[%mul3A_942, %dma_start3A_946] : memref<128x50xi32, #tpu.memory_space<vmem>> -> memref<1x50xi32, #tpu.memory_space<vmem>>
        %dma_start3A_948 = tpu.memref_squeeze %dma_start3A_947 : memref<1x50xi32, #tpu.memory_space<vmem>> -> memref<50xi32, #tpu.memory_space<vmem>>
        %dma_start3A_949 = arith.constant 0 : i32
        %dma_start3A_950 = arith.constant 0 : i32
        %dma_start3A_951 = tpu.memref_slice %arg2[%dma_start3A_949, %dma_start3A_950] : memref<100000x128xf32, #tpu.memory_space<hbm>> -> memref<100000x128xf32, #tpu.memory_space<hbm>>
        tpu.enqueue_indirect_dma source(%dma_start3A_951 : memref<100000x128xf32, #tpu.memory_space<hbm>>) target(%dma_start3A_945 : memref<50x128xf32, #tpu.memory_space<vmem>>) offsets(%dma_start3A_948 : memref<50xi32, #tpu.memory_space<vmem>>) semaphore(%arg12 : memref<!tpu.dma_semaphore, #tpu.memory_space<semaphore_mem>>)
        %mul3A_952 = arith.constant 2 : i32
        %mul3A_953 = arith.muli %mul3A_952, %sub3A_508 : i32
        %add3A_954 = arith.constant 1 : i32
        %add3A_955 = arith.addi %mul3A_953, %add3A_954 : i32
        %dma_start3A_956 = arith.constant 50 : i32
        %dma_start3A_957 = arith.constant 0 : i32
        %dma_start3A_958 = tpu.memref_slice %arg7[%dma_start3A_956, %dma_start3A_957] : memref<100x128xf32, #tpu.memory_space<vmem>> -> memref<50x128xf32, #tpu.memory_space<vmem>>
        %dma_start3A_959 = arith.constant 0 : i32
        %dma_start3A_960 = tpu.memref_slice %arg5[%add3A_955, %dma_start3A_959] : memref<128x50xi32, #tpu.memory_space<vmem>> -> memref<1x50xi32, #tpu.memory_space<vmem>>
        %dma_start3A_961 = tpu.memref_squeeze %dma_start3A_960 : memref<1x50xi32, #tpu.memory_space<vmem>> -> memref<50xi32, #tpu.memory_space<vmem>>
        %dma_start3A_962 = arith.constant 0 : i32
        %dma_start3A_963 = arith.constant 0 : i32
        %dma_start3A_964 = tpu.memref_slice %arg2[%dma_start3A_962, %dma_start3A_963] : memref<100000x128xf32, #tpu.memory_space<hbm>> -> memref<100000x128xf32, #tpu.memory_space<hbm>>
        tpu.enqueue_indirect_dma source(%dma_start3A_964 : memref<100000x128xf32, #tpu.memory_space<hbm>>) target(%dma_start3A_958 : memref<50x128xf32, #tpu.memory_space<vmem>>) offsets(%dma_start3A_961 : memref<50xi32, #tpu.memory_space<vmem>>) semaphore(%arg12 : memref<!tpu.dma_semaphore, #tpu.memory_space<semaphore_mem>>)
      } else {
      }
      %dma_wait3A_514 = arith.constant 0 : i32
      %dma_wait3A_515 = arith.constant 0 : i32
      %dma_wait3A_516 = arith.constant 0 : i32
      %dma_wait3A_517 = tpu.memref_slice %arg8[%dma_wait3A_515, %dma_wait3A_516] : memref<100x128xf32, #tpu.memory_space<vmem>> -> memref<50x128xf32, #tpu.memory_space<vmem>>
      %dma_wait3A_518 = arith.constant 0 : i32
      %dma_wait3A_519 = tpu.memref_slice %arg5[%dma_wait3A_514, %dma_wait3A_518] : memref<128x50xi32, #tpu.memory_space<vmem>> -> memref<1x50xi32, #tpu.memory_space<vmem>>
      %dma_wait3A_520 = tpu.memref_squeeze %dma_wait3A_519 : memref<1x50xi32, #tpu.memory_space<vmem>> -> memref<50xi32, #tpu.memory_space<vmem>>
      %dma_wait3A_521 = arith.constant 0 : i32
      %dma_wait3A_522 = arith.constant 0 : i32
      %dma_wait3A_523 = tpu.memref_slice %arg2[%dma_wait3A_521, %dma_wait3A_522] : memref<100000x128xf32, #tpu.memory_space<hbm>> -> memref<100000x128xf32, #tpu.memory_space<hbm>>
      tpu.wait_indirect_dma semaphore(%arg13 : memref<!tpu.dma_semaphore, #tpu.memory_space<semaphore_mem>>) src(%dma_wait3A_523 : memref<100000x128xf32, #tpu.memory_space<hbm>>) dst(%dma_wait3A_517 : memref<50x128xf32, #tpu.memory_space<vmem>>)
      %dma_wait3A_524 = arith.constant 0 : i32
      %dma_wait3A_525 = arith.constant 50 : i32
      %dma_wait3A_526 = arith.constant 0 : i32
      %dma_wait3A_527 = tpu.memref_slice %arg8[%dma_wait3A_525, %dma_wait3A_526] : memref<100x128xf32, #tpu.memory_space<vmem>> -> memref<50x128xf32, #tpu.memory_space<vmem>>
      %dma_wait3A_528 = arith.constant 0 : i32
      %dma_wait3A_529 = tpu.memref_slice %arg5[%dma_wait3A_524, %dma_wait3A_528] : memref<128x50xi32, #tpu.memory_space<vmem>> -> memref<1x50xi32, #tpu.memory_space<vmem>>
      %dma_wait3A_530 = tpu.memref_squeeze %dma_wait3A_529 : memref<1x50xi32, #tpu.memory_space<vmem>> -> memref<50xi32, #tpu.memory_space<vmem>>
      %dma_wait3A_531 = arith.constant 0 : i32
      %dma_wait3A_532 = arith.constant 0 : i32
      %dma_wait3A_533 = tpu.memref_slice %arg2[%dma_wait3A_531, %dma_wait3A_532] : memref<100000x128xf32, #tpu.memory_space<hbm>> -> memref<100000x128xf32, #tpu.memory_space<hbm>>
      tpu.wait_indirect_dma semaphore(%arg13 : memref<!tpu.dma_semaphore, #tpu.memory_space<semaphore_mem>>) src(%dma_wait3A_533 : memref<100000x128xf32, #tpu.memory_space<hbm>>) dst(%dma_wait3A_527 : memref<50x128xf32, #tpu.memory_space<vmem>>)
      %broadcast_in_dim3A_534 = arith.constant 0.000000e+00 : f32
      %broadcast_in_dim3A_535 = vector.broadcast %broadcast_in_dim3A_534 : f32 to vector<16xf32>
      %broadcast_in_dim3A_536 = arith.constant 0.000000e+00 : f32
      %broadcast_in_dim3A_537 = vector.broadcast %broadcast_in_dim3A_536 : f32 to vector<16xf32>
      %broadcast_in_dim3A_538 = arith.constant 0.000000e+00 : f32
      %broadcast_in_dim3A_539 = vector.broadcast %broadcast_in_dim3A_538 : f32 to vector<16xf32>
      %broadcast_in_dim3A_540 = arith.constant 0.000000e+00 : f32
      %broadcast_in_dim3A_541 = vector.broadcast %broadcast_in_dim3A_540 : f32 to vector<16xf32>
      %broadcast_in_dim3A_542 = arith.constant 0.000000e+00 : f32
      %broadcast_in_dim3A_543 = vector.broadcast %broadcast_in_dim3A_542 : f32 to vector<16xf32>
      %broadcast_in_dim3A_544 = arith.constant 0.000000e+00 : f32
      %broadcast_in_dim3A_545 = vector.broadcast %broadcast_in_dim3A_544 : f32 to vector<16xf32>
      %broadcast_in_dim3A_546 = arith.constant 0.000000e+00 : f32
      %broadcast_in_dim3A_547 = vector.broadcast %broadcast_in_dim3A_546 : f32 to vector<16xf32>
      %broadcast_in_dim3A_548 = arith.constant 0.000000e+00 : f32
      %broadcast_in_dim3A_549 = vector.broadcast %broadcast_in_dim3A_548 : f32 to vector<16xf32>
      %scan3A_550 = arith.constant 0 : i32
      %scan3A_551 = arith.constant 50 : i32
      %scan3A_552 = arith.addi %scan3A_550, %scan3A_551 : i32
      %scan3A_553 = arith.constant 1 : i32
      %scan3A_554:8 = scf.for %scan3A_941 = %scan3A_550 to %scan3A_552 step %scan3A_553 iter_args(%scan3A_942 = %broadcast_in_dim3A_535, %scan3A_943 = %broadcast_in_dim3A_537, %scan3A_944 = %broadcast_in_dim3A_539, %scan3A_945 = %broadcast_in_dim3A_541, %scan3A_946 = %broadcast_in_dim3A_543, %scan3A_947 = %broadcast_in_dim3A_545, %scan3A_948 = %broadcast_in_dim3A_547, %scan3A_949 = %broadcast_in_dim3A_549) -> (vector<16xf32>, vector<16xf32>, vector<16xf32>, vector<16xf32>, vector<16xf32>, vector<16xf32>, vector<16xf32>, vector<16xf32>)  : i32 {
        %add3A_950 = arith.constant 0 : i32
        %add3A_951 = arith.addi %add3A_950, %scan3A_941 : i32
        %get3A = arith.index_cast %add3A_951 : i32 to index
        %get3A_952 = arith.constant 0 : index
        %get3A_953 = tpu.vector_load %arg8[%get3A, %get3A_952] {strides = array<i32>} : memref<100x128xf32, #tpu.memory_space<vmem>>, vector<1x16xf32>,
        %get3A_954 = vector.shape_cast %get3A_953 : vector<1x16xf32> to vector<16xf32>
        %add3A_955 = arith.addf %scan3A_942, %get3A_954 : vector<16xf32>
        %add3A_956 = arith.constant 0 : i32
        %add3A_957 = arith.addi %add3A_956, %scan3A_941 : i32
        %get3A_958 = arith.index_cast %add3A_957 : i32 to index
        %get3A_959 = arith.constant 16 : index
        %get3A_960 = tpu.vector_load %arg8[%get3A_958, %get3A_959] {strides = array<i32>} : memref<100x128xf32, #tpu.memory_space<vmem>>, vector<1x16xf32>,
        %get3A_961 = vector.shape_cast %get3A_960 : vector<1x16xf32> to vector<16xf32>
        %add3A_962 = arith.addf %scan3A_943, %get3A_961 : vector<16xf32>
        %add3A_963 = arith.constant 0 : i32
        %add3A_964 = arith.addi %add3A_963, %scan3A_941 : i32
        %get3A_965 = arith.index_cast %add3A_964 : i32 to index
        %get3A_966 = arith.constant 32 : index
        %get3A_967 = tpu.vector_load %arg8[%get3A_965, %get3A_966] {strides = array<i32>} : memref<100x128xf32, #tpu.memory_space<vmem>>, vector<1x16xf32>,
        %get3A_968 = vector.shape_cast %get3A_967 : vector<1x16xf32> to vector<16xf32>
        %add3A_969 = arith.addf %scan3A_944, %get3A_968 : vector<16xf32>
        %add3A_970 = arith.constant 0 : i32
        %add3A_971 = arith.addi %add3A_970, %scan3A_941 : i32
        %get3A_972 = arith.index_cast %add3A_971 : i32 to index
        %get3A_973 = arith.constant 48 : index
        %get3A_974 = tpu.vector_load %arg8[%get3A_972, %get3A_973] {strides = array<i32>} : memref<100x128xf32, #tpu.memory_space<vmem>>, vector<1x16xf32>,
        %get3A_975 = vector.shape_cast %get3A_974 : vector<1x16xf32> to vector<16xf32>
        %add3A_976 = arith.addf %scan3A_945, %get3A_975 : vector<16xf32>
        %add3A_977 = arith.constant 0 : i32
        %add3A_978 = arith.addi %add3A_977, %scan3A_941 : i32
        %get3A_979 = arith.index_cast %add3A_978 : i32 to index
        %get3A_980 = arith.constant 64 : index
        %get3A_981 = tpu.vector_load %arg8[%get3A_979, %get3A_980] {strides = array<i32>} : memref<100x128xf32, #tpu.memory_space<vmem>>, vector<1x16xf32>,
        %get3A_982 = vector.shape_cast %get3A_981 : vector<1x16xf32> to vector<16xf32>
        %add3A_983 = arith.addf %scan3A_946, %get3A_982 : vector<16xf32>
        %add3A_984 = arith.constant 0 : i32
        %add3A_985 = arith.addi %add3A_984, %scan3A_941 : i32
        %get3A_986 = arith.index_cast %add3A_985 : i32 to index
        %get3A_987 = arith.constant 80 : index
        %get3A_988 = tpu.vector_load %arg8[%get3A_986, %get3A_987] {strides = array<i32>} : memref<100x128xf32, #tpu.memory_space<vmem>>, vector<1x16xf32>,
        %get3A_989 = vector.shape_cast %get3A_988 : vector<1x16xf32> to vector<16xf32>
        %add3A_990 = arith.addf %scan3A_947, %get3A_989 : vector<16xf32>
        %add3A_991 = arith.constant 0 : i32
        %add3A_992 = arith.addi %add3A_991, %scan3A_941 : i32
        %get3A_993 = arith.index_cast %add3A_992 : i32 to index
        %get3A_994 = arith.constant 96 : index
        %get3A_995 = tpu.vector_load %arg8[%get3A_993, %get3A_994] {strides = array<i32>} : memref<100x128xf32, #tpu.memory_space<vmem>>, vector<1x16xf32>,
        %get3A_996 = vector.shape_cast %get3A_995 : vector<1x16xf32> to vector<16xf32>
        %add3A_997 = arith.addf %scan3A_948, %get3A_996 : vector<16xf32>
        %add3A_998 = arith.constant 0 : i32
        %add3A_999 = arith.addi %add3A_998, %scan3A_941 : i32
        %get3A_1000 = arith.index_cast %add3A_999 : i32 to index
        %get3A_1001 = arith.constant 112 : index
        %get3A_1002 = tpu.vector_load %arg8[%get3A_1000, %get3A_1001] {strides = array<i32>} : memref<100x128xf32, #tpu.memory_space<vmem>>, vector<1x16xf32>,
        %get3A_1003 = vector.shape_cast %get3A_1002 : vector<1x16xf32> to vector<16xf32>
        %add3A_1004 = arith.addf %scan3A_949, %get3A_1003 : vector<16xf32>
        scf.yield %add3A_955, %add3A_962, %add3A_969, %add3A_976, %add3A_983, %add3A_990, %add3A_997, %add3A_1004 : vector<16xf32>, vector<16xf32>, vector<16xf32>, vector<16xf32>, vector<16xf32>, vector<16xf32>, vector<16xf32>, vector<16xf32>
      }
      %scan3A_555 = arith.constant 50 : i32
      %mul3A_556 = arith.constant 2 : i32
      %mul3A_557 = arith.muli %add3A_504, %mul3A_556 : i32
      %add3A_558 = arith.constant 0 : i32
      %add3A_559 = arith.addi %mul3A_557, %add3A_558 : i32
      %swap3A_560 = arith.index_cast %add3A_559 : i32 to index
      %swap3A_561 = arith.constant 0 : index
      %swap3A_562 = tpu.vector_load %arg10[%swap3A_560, %swap3A_561] {strides = array<i32>} : memref<128x128xf32, #tpu.memory_space<vmem>>, vector<1x16xf32>,
      %swap3A_563 = vector.shape_cast %swap3A_562 : vector<1x16xf32> to vector<16xf32>
      %swap3A_564 = vector.shape_cast %scan3A_554#0 : vector<16xf32> to vector<1x16xf32>
      tpu.vector_store %arg10[%swap3A_560, %swap3A_561], %swap3A_564 {strides = array<i32>} : memref<128x128xf32, #tpu.memory_space<vmem>>, vector<1x16xf32>,
      %mul3A_565 = arith.constant 2 : i32
      %mul3A_566 = arith.muli %add3A_504, %mul3A_565 : i32
      %add3A_567 = arith.constant 0 : i32
      %add3A_568 = arith.addi %mul3A_566, %add3A_567 : i32
      %swap3A_569 = arith.index_cast %add3A_568 : i32 to index
      %swap3A_570 = arith.constant 16 : index
      %swap3A_571 = tpu.vector_load %arg10[%swap3A_569, %swap3A_570] {strides = array<i32>} : memref<128x128xf32, #tpu.memory_space<vmem>>, vector<1x16xf32>,
      %swap3A_572 = vector.shape_cast %swap3A_571 : vector<1x16xf32> to vector<16xf32>
      %swap3A_573 = vector.shape_cast %scan3A_554#1 : vector<16xf32> to vector<1x16xf32>
      tpu.vector_store %arg10[%swap3A_569, %swap3A_570], %swap3A_573 {strides = array<i32>} : memref<128x128xf32, #tpu.memory_space<vmem>>, vector<1x16xf32>,
      %mul3A_574 = arith.constant 2 : i32
      %mul3A_575 = arith.muli %add3A_504, %mul3A_574 : i32
      %add3A_576 = arith.constant 0 : i32
      %add3A_577 = arith.addi %mul3A_575, %add3A_576 : i32
      %swap3A_578 = arith.index_cast %add3A_577 : i32 to index
      %swap3A_579 = arith.constant 32 : index
      %swap3A_580 = tpu.vector_load %arg10[%swap3A_578, %swap3A_579] {strides = array<i32>} : memref<128x128xf32, #tpu.memory_space<vmem>>, vector<1x16xf32>,
      %swap3A_581 = vector.shape_cast %swap3A_580 : vector<1x16xf32> to vector<16xf32>
      %swap3A_582 = vector.shape_cast %scan3A_554#2 : vector<16xf32> to vector<1x16xf32>
      tpu.vector_store %arg10[%swap3A_578, %swap3A_579], %swap3A_582 {strides = array<i32>} : memref<128x128xf32, #tpu.memory_space<vmem>>, vector<1x16xf32>,
      %mul3A_583 = arith.constant 2 : i32
      %mul3A_584 = arith.muli %add3A_504, %mul3A_583 : i32
      %add3A_585 = arith.constant 0 : i32
      %add3A_586 = arith.addi %mul3A_584, %add3A_585 : i32
      %swap3A_587 = arith.index_cast %add3A_586 : i32 to index
      %swap3A_588 = arith.constant 48 : index
      %swap3A_589 = tpu.vector_load %arg10[%swap3A_587, %swap3A_588] {strides = array<i32>} : memref<128x128xf32, #tpu.memory_space<vmem>>, vector<1x16xf32>,
      %swap3A_590 = vector.shape_cast %swap3A_589 : vector<1x16xf32> to vector<16xf32>
      %swap3A_591 = vector.shape_cast %scan3A_554#3 : vector<16xf32> to vector<1x16xf32>
      tpu.vector_store %arg10[%swap3A_587, %swap3A_588], %swap3A_591 {strides = array<i32>} : memref<128x128xf32, #tpu.memory_space<vmem>>, vector<1x16xf32>,
      %mul3A_592 = arith.constant 2 : i32
      %mul3A_593 = arith.muli %add3A_504, %mul3A_592 : i32
      %add3A_594 = arith.constant 0 : i32
      %add3A_595 = arith.addi %mul3A_593, %add3A_594 : i32
      %swap3A_596 = arith.index_cast %add3A_595 : i32 to index
      %swap3A_597 = arith.constant 64 : index
      %swap3A_598 = tpu.vector_load %arg10[%swap3A_596, %swap3A_597] {strides = array<i32>} : memref<128x128xf32, #tpu.memory_space<vmem>>, vector<1x16xf32>,
      %swap3A_599 = vector.shape_cast %swap3A_598 : vector<1x16xf32> to vector<16xf32>
      %swap3A_600 = vector.shape_cast %scan3A_554#4 : vector<16xf32> to vector<1x16xf32>
      tpu.vector_store %arg10[%swap3A_596, %swap3A_597], %swap3A_600 {strides = array<i32>} : memref<128x128xf32, #tpu.memory_space<vmem>>, vector<1x16xf32>,
      %mul3A_601 = arith.constant 2 : i32
      %mul3A_602 = arith.muli %add3A_504, %mul3A_601 : i32
      %add3A_603 = arith.constant 0 : i32
      %add3A_604 = arith.addi %mul3A_602, %add3A_603 : i32
      %swap3A_605 = arith.index_cast %add3A_604 : i32 to index
      %swap3A_606 = arith.constant 80 : index
      %swap3A_607 = tpu.vector_load %arg10[%swap3A_605, %swap3A_606] {strides = array<i32>} : memref<128x128xf32, #tpu.memory_space<vmem>>, vector<1x16xf32>,
      %swap3A_608 = vector.shape_cast %swap3A_607 : vector<1x16xf32> to vector<16xf32>
      %swap3A_609 = vector.shape_cast %scan3A_554#5 : vector<16xf32> to vector<1x16xf32>
      tpu.vector_store %arg10[%swap3A_605, %swap3A_606], %swap3A_609 {strides = array<i32>} : memref<128x128xf32, #tpu.memory_space<vmem>>, vector<1x16xf32>,
      %mul3A_610 = arith.constant 2 : i32
      %mul3A_611 = arith.muli %add3A_504, %mul3A_610 : i32
      %add3A_612 = arith.constant 0 : i32
      %add3A_613 = arith.addi %mul3A_611, %add3A_612 : i32
      %swap3A_614 = arith.index_cast %add3A_613 : i32 to index
      %swap3A_615 = arith.constant 96 : index
      %swap3A_616 = tpu.vector_load %arg10[%swap3A_614, %swap3A_615] {strides = array<i32>} : memref<128x128xf32, #tpu.memory_space<vmem>>, vector<1x16xf32>,
      %swap3A_617 = vector.shape_cast %swap3A_616 : vector<1x16xf32> to vector<16xf32>
      %swap3A_618 = vector.shape_cast %scan3A_554#6 : vector<16xf32> to vector<1x16xf32>
      tpu.vector_store %arg10[%swap3A_614, %swap3A_615], %swap3A_618 {strides = array<i32>} : memref<128x128xf32, #tpu.memory_space<vmem>>, vector<1x16xf32>,
      %mul3A_619 = arith.constant 2 : i32
      %mul3A_620 = arith.muli %add3A_504, %mul3A_619 : i32
      %add3A_621 = arith.constant 0 : i32
      %add3A_622 = arith.addi %mul3A_620, %add3A_621 : i32
      %swap3A_623 = arith.index_cast %add3A_622 : i32 to index
      %swap3A_624 = arith.constant 112 : index
      %swap3A_625 = tpu.vector_load %arg10[%swap3A_623, %swap3A_624] {strides = array<i32>} : memref<128x128xf32, #tpu.memory_space<vmem>>, vector<1x16xf32>,
      %swap3A_626 = vector.shape_cast %swap3A_625 : vector<1x16xf32> to vector<16xf32>
      %swap3A_627 = vector.shape_cast %scan3A_554#7 : vector<16xf32> to vector<1x16xf32>
      tpu.vector_store %arg10[%swap3A_623, %swap3A_624], %swap3A_627 {strides = array<i32>} : memref<128x128xf32, #tpu.memory_space<vmem>>, vector<1x16xf32>,
      %broadcast_in_dim3A_628 = arith.constant 0.000000e+00 : f32
      %broadcast_in_dim3A_629 = vector.broadcast %broadcast_in_dim3A_628 : f32 to vector<16xf32>
      %broadcast_in_dim3A_630 = arith.constant 0.000000e+00 : f32
      %broadcast_in_dim3A_631 = vector.broadcast %broadcast_in_dim3A_630 : f32 to vector<16xf32>
      %broadcast_in_dim3A_632 = arith.constant 0.000000e+00 : f32
      %broadcast_in_dim3A_633 = vector.broadcast %broadcast_in_dim3A_632 : f32 to vector<16xf32>
      %broadcast_in_dim3A_634 = arith.constant 0.000000e+00 : f32
      %broadcast_in_dim3A_635 = vector.broadcast %broadcast_in_dim3A_634 : f32 to vector<16xf32>
      %broadcast_in_dim3A_636 = arith.constant 0.000000e+00 : f32
      %broadcast_in_dim3A_637 = vector.broadcast %broadcast_in_dim3A_636 : f32 to vector<16xf32>
      %broadcast_in_dim3A_638 = arith.constant 0.000000e+00 : f32
      %broadcast_in_dim3A_639 = vector.broadcast %broadcast_in_dim3A_638 : f32 to vector<16xf32>
      %broadcast_in_dim3A_640 = arith.constant 0.000000e+00 : f32
      %broadcast_in_dim3A_641 = vector.broadcast %broadcast_in_dim3A_640 : f32 to vector<16xf32>
      %broadcast_in_dim3A_642 = arith.constant 0.000000e+00 : f32
      %broadcast_in_dim3A_643 = vector.broadcast %broadcast_in_dim3A_642 : f32 to vector<16xf32>
      %scan3A_644 = arith.constant 0 : i32
      %scan3A_645 = arith.constant 50 : i32
      %scan3A_646 = arith.addi %scan3A_644, %scan3A_645 : i32
      %scan3A_647 = arith.constant 1 : i32
      %scan3A_648:8 = scf.for %scan3A_941 = %scan3A_644 to %scan3A_646 step %scan3A_647 iter_args(%scan3A_942 = %broadcast_in_dim3A_629, %scan3A_943 = %broadcast_in_dim3A_631, %scan3A_944 = %broadcast_in_dim3A_633, %scan3A_945 = %broadcast_in_dim3A_635, %scan3A_946 = %broadcast_in_dim3A_637, %scan3A_947 = %broadcast_in_dim3A_639, %scan3A_948 = %broadcast_in_dim3A_641, %scan3A_949 = %broadcast_in_dim3A_643) -> (vector<16xf32>, vector<16xf32>, vector<16xf32>, vector<16xf32>, vector<16xf32>, vector<16xf32>, vector<16xf32>, vector<16xf32>)  : i32 {
        %add3A_950 = arith.constant 50 : i32
        %add3A_951 = arith.addi %add3A_950, %scan3A_941 : i32
        %get3A = arith.index_cast %add3A_951 : i32 to index
        %get3A_952 = arith.constant 0 : index
        %get3A_953 = tpu.vector_load %arg8[%get3A, %get3A_952] {strides = array<i32>} : memref<100x128xf32, #tpu.memory_space<vmem>>, vector<1x16xf32>,
        %get3A_954 = vector.shape_cast %get3A_953 : vector<1x16xf32> to vector<16xf32>
        %add3A_955 = arith.addf %scan3A_942, %get3A_954 : vector<16xf32>
        %add3A_956 = arith.constant 50 : i32
        %add3A_957 = arith.addi %add3A_956, %scan3A_941 : i32
        %get3A_958 = arith.index_cast %add3A_957 : i32 to index
        %get3A_959 = arith.constant 16 : index
        %get3A_960 = tpu.vector_load %arg8[%get3A_958, %get3A_959] {strides = array<i32>} : memref<100x128xf32, #tpu.memory_space<vmem>>, vector<1x16xf32>,
        %get3A_961 = vector.shape_cast %get3A_960 : vector<1x16xf32> to vector<16xf32>
        %add3A_962 = arith.addf %scan3A_943, %get3A_961 : vector<16xf32>
        %add3A_963 = arith.constant 50 : i32
        %add3A_964 = arith.addi %add3A_963, %scan3A_941 : i32
        %get3A_965 = arith.index_cast %add3A_964 : i32 to index
        %get3A_966 = arith.constant 32 : index
        %get3A_967 = tpu.vector_load %arg8[%get3A_965, %get3A_966] {strides = array<i32>} : memref<100x128xf32, #tpu.memory_space<vmem>>, vector<1x16xf32>,
        %get3A_968 = vector.shape_cast %get3A_967 : vector<1x16xf32> to vector<16xf32>
        %add3A_969 = arith.addf %scan3A_944, %get3A_968 : vector<16xf32>
        %add3A_970 = arith.constant 50 : i32
        %add3A_971 = arith.addi %add3A_970, %scan3A_941 : i32
        %get3A_972 = arith.index_cast %add3A_971 : i32 to index
        %get3A_973 = arith.constant 48 : index
        %get3A_974 = tpu.vector_load %arg8[%get3A_972, %get3A_973] {strides = array<i32>} : memref<100x128xf32, #tpu.memory_space<vmem>>, vector<1x16xf32>,
        %get3A_975 = vector.shape_cast %get3A_974 : vector<1x16xf32> to vector<16xf32>
        %add3A_976 = arith.addf %scan3A_945, %get3A_975 : vector<16xf32>
        %add3A_977 = arith.constant 50 : i32
        %add3A_978 = arith.addi %add3A_977, %scan3A_941 : i32
        %get3A_979 = arith.index_cast %add3A_978 : i32 to index
        %get3A_980 = arith.constant 64 : index
        %get3A_981 = tpu.vector_load %arg8[%get3A_979, %get3A_980] {strides = array<i32>} : memref<100x128xf32, #tpu.memory_space<vmem>>, vector<1x16xf32>,
        %get3A_982 = vector.shape_cast %get3A_981 : vector<1x16xf32> to vector<16xf32>
        %add3A_983 = arith.addf %scan3A_946, %get3A_982 : vector<16xf32>
        %add3A_984 = arith.constant 50 : i32
        %add3A_985 = arith.addi %add3A_984, %scan3A_941 : i32
        %get3A_986 = arith.index_cast %add3A_985 : i32 to index
        %get3A_987 = arith.constant 80 : index
        %get3A_988 = tpu.vector_load %arg8[%get3A_986, %get3A_987] {strides = array<i32>} : memref<100x128xf32, #tpu.memory_space<vmem>>, vector<1x16xf32>,
        %get3A_989 = vector.shape_cast %get3A_988 : vector<1x16xf32> to vector<16xf32>
        %add3A_990 = arith.addf %scan3A_947, %get3A_989 : vector<16xf32>
        %add3A_991 = arith.constant 50 : i32
        %add3A_992 = arith.addi %add3A_991, %scan3A_941 : i32
        %get3A_993 = arith.index_cast %add3A_992 : i32 to index
        %get3A_994 = arith.constant 96 : index
        %get3A_995 = tpu.vector_load %arg8[%get3A_993, %get3A_994] {strides = array<i32>} : memref<100x128xf32, #tpu.memory_space<vmem>>, vector<1x16xf32>,
        %get3A_996 = vector.shape_cast %get3A_995 : vector<1x16xf32> to vector<16xf32>
        %add3A_997 = arith.addf %scan3A_948, %get3A_996 : vector<16xf32>
        %add3A_998 = arith.constant 50 : i32
        %add3A_999 = arith.addi %add3A_998, %scan3A_941 : i32
        %get3A_1000 = arith.index_cast %add3A_999 : i32 to index
        %get3A_1001 = arith.constant 112 : index
        %get3A_1002 = tpu.vector_load %arg8[%get3A_1000, %get3A_1001] {strides = array<i32>} : memref<100x128xf32, #tpu.memory_space<vmem>>, vector<1x16xf32>,
        %get3A_1003 = vector.shape_cast %get3A_1002 : vector<1x16xf32> to vector<16xf32>
        %add3A_1004 = arith.addf %scan3A_949, %get3A_1003 : vector<16xf32>
        scf.yield %add3A_955, %add3A_962, %add3A_969, %add3A_976, %add3A_983, %add3A_990, %add3A_997, %add3A_1004 : vector<16xf32>, vector<16xf32>, vector<16xf32>, vector<16xf32>, vector<16xf32>, vector<16xf32>, vector<16xf32>, vector<16xf32>
      }
      %scan3A_649 = arith.constant 50 : i32
      %mul3A_650 = arith.constant 2 : i32
      %mul3A_651 = arith.muli %add3A_504, %mul3A_650 : i32
      %add3A_652 = arith.constant 1 : i32
      %add3A_653 = arith.addi %mul3A_651, %add3A_652 : i32
      %swap3A_654 = arith.index_cast %add3A_653 : i32 to index
      %swap3A_655 = arith.constant 0 : index
      %swap3A_656 = tpu.vector_load %arg10[%swap3A_654, %swap3A_655] {strides = array<i32>} : memref<128x128xf32, #tpu.memory_space<vmem>>, vector<1x16xf32>,
      %swap3A_657 = vector.shape_cast %swap3A_656 : vector<1x16xf32> to vector<16xf32>
      %swap3A_658 = vector.shape_cast %scan3A_648#0 : vector<16xf32> to vector<1x16xf32>
      tpu.vector_store %arg10[%swap3A_654, %swap3A_655], %swap3A_658 {strides = array<i32>} : memref<128x128xf32, #tpu.memory_space<vmem>>, vector<1x16xf32>,
      %mul3A_659 = arith.constant 2 : i32
      %mul3A_660 = arith.muli %add3A_504, %mul3A_659 : i32
      %add3A_661 = arith.constant 1 : i32
      %add3A_662 = arith.addi %mul3A_660, %add3A_661 : i32
      %swap3A_663 = arith.index_cast %add3A_662 : i32 to index
      %swap3A_664 = arith.constant 16 : index
      %swap3A_665 = tpu.vector_load %arg10[%swap3A_663, %swap3A_664] {strides = array<i32>} : memref<128x128xf32, #tpu.memory_space<vmem>>, vector<1x16xf32>,
      %swap3A_666 = vector.shape_cast %swap3A_665 : vector<1x16xf32> to vector<16xf32>
      %swap3A_667 = vector.shape_cast %scan3A_648#1 : vector<16xf32> to vector<1x16xf32>
      tpu.vector_store %arg10[%swap3A_663, %swap3A_664], %swap3A_667 {strides = array<i32>} : memref<128x128xf32, #tpu.memory_space<vmem>>, vector<1x16xf32>,
      %mul3A_668 = arith.constant 2 : i32
      %mul3A_669 = arith.muli %add3A_504, %mul3A_668 : i32
      %add3A_670 = arith.constant 1 : i32
      %add3A_671 = arith.addi %mul3A_669, %add3A_670 : i32
      %swap3A_672 = arith.index_cast %add3A_671 : i32 to index
      %swap3A_673 = arith.constant 32 : index
      %swap3A_674 = tpu.vector_load %arg10[%swap3A_672, %swap3A_673] {strides = array<i32>} : memref<128x128xf32, #tpu.memory_space<vmem>>, vector<1x16xf32>,
      %swap3A_675 = vector.shape_cast %swap3A_674 : vector<1x16xf32> to vector<16xf32>
      %swap3A_676 = vector.shape_cast %scan3A_648#2 : vector<16xf32> to vector<1x16xf32>
      tpu.vector_store %arg10[%swap3A_672, %swap3A_673], %swap3A_676 {strides = array<i32>} : memref<128x128xf32, #tpu.memory_space<vmem>>, vector<1x16xf32>,
      %mul3A_677 = arith.constant 2 : i32
      %mul3A_678 = arith.muli %add3A_504, %mul3A_677 : i32
      %add3A_679 = arith.constant 1 : i32
      %add3A_680 = arith.addi %mul3A_678, %add3A_679 : i32
      %swap3A_681 = arith.index_cast %add3A_680 : i32 to index
      %swap3A_682 = arith.constant 48 : index
      %swap3A_683 = tpu.vector_load %arg10[%swap3A_681, %swap3A_682] {strides = array<i32>} : memref<128x128xf32, #tpu.memory_space<vmem>>, vector<1x16xf32>,
      %swap3A_684 = vector.shape_cast %swap3A_683 : vector<1x16xf32> to vector<16xf32>
      %swap3A_685 = vector.shape_cast %scan3A_648#3 : vector<16xf32> to vector<1x16xf32>
      tpu.vector_store %arg10[%swap3A_681, %swap3A_682], %swap3A_685 {strides = array<i32>} : memref<128x128xf32, #tpu.memory_space<vmem>>, vector<1x16xf32>,
      %mul3A_686 = arith.constant 2 : i32
      %mul3A_687 = arith.muli %add3A_504, %mul3A_686 : i32
      %add3A_688 = arith.constant 1 : i32
      %add3A_689 = arith.addi %mul3A_687, %add3A_688 : i32
      %swap3A_690 = arith.index_cast %add3A_689 : i32 to index
      %swap3A_691 = arith.constant 64 : index
      %swap3A_692 = tpu.vector_load %arg10[%swap3A_690, %swap3A_691] {strides = array<i32>} : memref<128x128xf32, #tpu.memory_space<vmem>>, vector<1x16xf32>,
      %swap3A_693 = vector.shape_cast %swap3A_692 : vector<1x16xf32> to vector<16xf32>
      %swap3A_694 = vector.shape_cast %scan3A_648#4 : vector<16xf32> to vector<1x16xf32>
      tpu.vector_store %arg10[%swap3A_690, %swap3A_691], %swap3A_694 {strides = array<i32>} : memref<128x128xf32, #tpu.memory_space<vmem>>, vector<1x16xf32>,
      %mul3A_695 = arith.constant 2 : i32
      %mul3A_696 = arith.muli %add3A_504, %mul3A_695 : i32
      %add3A_697 = arith.constant 1 : i32
      %add3A_698 = arith.addi %mul3A_696, %add3A_697 : i32
      %swap3A_699 = arith.index_cast %add3A_698 : i32 to index
      %swap3A_700 = arith.constant 80 : index
      %swap3A_701 = tpu.vector_load %arg10[%swap3A_699, %swap3A_700] {strides = array<i32>} : memref<128x128xf32, #tpu.memory_space<vmem>>, vector<1x16xf32>,
      %swap3A_702 = vector.shape_cast %swap3A_701 : vector<1x16xf32> to vector<16xf32>
      %swap3A_703 = vector.shape_cast %scan3A_648#5 : vector<16xf32> to vector<1x16xf32>
      tpu.vector_store %arg10[%swap3A_699, %swap3A_700], %swap3A_703 {strides = array<i32>} : memref<128x128xf32, #tpu.memory_space<vmem>>, vector<1x16xf32>,
      %mul3A_704 = arith.constant 2 : i32
      %mul3A_705 = arith.muli %add3A_504, %mul3A_704 : i32
      %add3A_706 = arith.constant 1 : i32
      %add3A_707 = arith.addi %mul3A_705, %add3A_706 : i32
      %swap3A_708 = arith.index_cast %add3A_707 : i32 to index
      %swap3A_709 = arith.constant 96 : index
      %swap3A_710 = tpu.vector_load %arg10[%swap3A_708, %swap3A_709] {strides = array<i32>} : memref<128x128xf32, #tpu.memory_space<vmem>>, vector<1x16xf32>,
      %swap3A_711 = vector.shape_cast %swap3A_710 : vector<1x16xf32> to vector<16xf32>
      %swap3A_712 = vector.shape_cast %scan3A_648#6 : vector<16xf32> to vector<1x16xf32>
      tpu.vector_store %arg10[%swap3A_708, %swap3A_709], %swap3A_712 {strides = array<i32>} : memref<128x128xf32, #tpu.memory_space<vmem>>, vector<1x16xf32>,
      %mul3A_713 = arith.constant 2 : i32
      %mul3A_714 = arith.muli %add3A_504, %mul3A_713 : i32
      %add3A_715 = arith.constant 1 : i32
      %add3A_716 = arith.addi %mul3A_714, %add3A_715 : i32
      %swap3A_717 = arith.index_cast %add3A_716 : i32 to index
      %swap3A_718 = arith.constant 112 : index
      %swap3A_719 = tpu.vector_load %arg10[%swap3A_717, %swap3A_718] {strides = array<i32>} : memref<128x128xf32, #tpu.memory_space<vmem>>, vector<1x16xf32>,
      %swap3A_720 = vector.shape_cast %swap3A_719 : vector<1x16xf32> to vector<16xf32>
      %swap3A_721 = vector.shape_cast %scan3A_648#7 : vector<16xf32> to vector<1x16xf32>
      tpu.vector_store %arg10[%swap3A_717, %swap3A_718], %swap3A_721 {strides = array<i32>} : memref<128x128xf32, #tpu.memory_space<vmem>>, vector<1x16xf32>,
      %add3A_722 = arith.constant 3 : i32
      %add3A_723 = arith.addi %mul3A_71, %add3A_722 : i32
      %add3A_724 = arith.constant 4 : i32
      %add3A_725 = arith.addi %add3A_723, %add3A_724 : i32
      %sub3A_726 = arith.constant 1 : i32
      %sub3A_727 = arith.subi %add3A_725, %sub3A_726 : i32
      %lt3A_728 = arith.constant 64 : i32
      %lt3A_729 = arith.cmpi slt, %sub3A_727, %lt3A_728 : i32
      %convert_element_type3A_730 = arith.extui %lt3A_729 : i1 to i32
      %cond3A_731 = arith.constant 0 : i32
      %cond3A_732 = arith.cmpi ne, %convert_element_type3A_730, %cond3A_731 : i32
      scf.if %cond3A_732 {
        %mul3A_941 = arith.constant 2 : i32
        %mul3A_942 = arith.muli %mul3A_941, %sub3A_727 : i32
        %dma_start3A_943 = arith.constant 0 : i32
        %dma_start3A_944 = arith.constant 0 : i32
        %dma_start3A_945 = tpu.memref_slice %arg8[%dma_start3A_943, %dma_start3A_944] : memref<100x128xf32, #tpu.memory_space<vmem>> -> memref<50x128xf32, #tpu.memory_space<vmem>>
        %dma_start3A_946 = arith.constant 0 : i32
        %dma_start3A_947 = tpu.memref_slice %arg5[%mul3A_942, %dma_start3A_946] : memref<128x50xi32, #tpu.memory_space<vmem>> -> memref<1x50xi32, #tpu.memory_space<vmem>>
        %dma_start3A_948 = tpu.memref_squeeze %dma_start3A_947 : memref<1x50xi32, #tpu.memory_space<vmem>> -> memref<50xi32, #tpu.memory_space<vmem>>
        %dma_start3A_949 = arith.constant 0 : i32
        %dma_start3A_950 = arith.constant 0 : i32
        %dma_start3A_951 = tpu.memref_slice %arg2[%dma_start3A_949, %dma_start3A_950] : memref<100000x128xf32, #tpu.memory_space<hbm>> -> memref<100000x128xf32, #tpu.memory_space<hbm>>
        tpu.enqueue_indirect_dma source(%dma_start3A_951 : memref<100000x128xf32, #tpu.memory_space<hbm>>) target(%dma_start3A_945 : memref<50x128xf32, #tpu.memory_space<vmem>>) offsets(%dma_start3A_948 : memref<50xi32, #tpu.memory_space<vmem>>) semaphore(%arg13 : memref<!tpu.dma_semaphore, #tpu.memory_space<semaphore_mem>>)
        %mul3A_952 = arith.constant 2 : i32
        %mul3A_953 = arith.muli %mul3A_952, %sub3A_727 : i32
        %add3A_954 = arith.constant 1 : i32
        %add3A_955 = arith.addi %mul3A_953, %add3A_954 : i32
        %dma_start3A_956 = arith.constant 50 : i32
        %dma_start3A_957 = arith.constant 0 : i32
        %dma_start3A_958 = tpu.memref_slice %arg8[%dma_start3A_956, %dma_start3A_957] : memref<100x128xf32, #tpu.memory_space<vmem>> -> memref<50x128xf32, #tpu.memory_space<vmem>>
        %dma_start3A_959 = arith.constant 0 : i32
        %dma_start3A_960 = tpu.memref_slice %arg5[%add3A_955, %dma_start3A_959] : memref<128x50xi32, #tpu.memory_space<vmem>> -> memref<1x50xi32, #tpu.memory_space<vmem>>
        %dma_start3A_961 = tpu.memref_squeeze %dma_start3A_960 : memref<1x50xi32, #tpu.memory_space<vmem>> -> memref<50xi32, #tpu.memory_space<vmem>>
        %dma_start3A_962 = arith.constant 0 : i32
        %dma_start3A_963 = arith.constant 0 : i32
        %dma_start3A_964 = tpu.memref_slice %arg2[%dma_start3A_962, %dma_start3A_963] : memref<100000x128xf32, #tpu.memory_space<hbm>> -> memref<100000x128xf32, #tpu.memory_space<hbm>>
        tpu.enqueue_indirect_dma source(%dma_start3A_964 : memref<100000x128xf32, #tpu.memory_space<hbm>>) target(%dma_start3A_958 : memref<50x128xf32, #tpu.memory_space<vmem>>) offsets(%dma_start3A_961 : memref<50xi32, #tpu.memory_space<vmem>>) semaphore(%arg13 : memref<!tpu.dma_semaphore, #tpu.memory_space<semaphore_mem>>)
      } else {
      }
      %dma_wait3A_733 = arith.constant 0 : i32
      %dma_wait3A_734 = arith.constant 0 : i32
      %dma_wait3A_735 = arith.constant 0 : i32
      %dma_wait3A_736 = tpu.memref_slice %arg9[%dma_wait3A_734, %dma_wait3A_735] : memref<100x128xf32, #tpu.memory_space<vmem>> -> memref<50x128xf32, #tpu.memory_space<vmem>>
      %dma_wait3A_737 = arith.constant 0 : i32
      %dma_wait3A_738 = tpu.memref_slice %arg5[%dma_wait3A_733, %dma_wait3A_737] : memref<128x50xi32, #tpu.memory_space<vmem>> -> memref<1x50xi32, #tpu.memory_space<vmem>>
      %dma_wait3A_739 = tpu.memref_squeeze %dma_wait3A_738 : memref<1x50xi32, #tpu.memory_space<vmem>> -> memref<50xi32, #tpu.memory_space<vmem>>
      %dma_wait3A_740 = arith.constant 0 : i32
      %dma_wait3A_741 = arith.constant 0 : i32
      %dma_wait3A_742 = tpu.memref_slice %arg2[%dma_wait3A_740, %dma_wait3A_741] : memref<100000x128xf32, #tpu.memory_space<hbm>> -> memref<100000x128xf32, #tpu.memory_space<hbm>>
      tpu.wait_indirect_dma semaphore(%arg14 : memref<!tpu.dma_semaphore, #tpu.memory_space<semaphore_mem>>) src(%dma_wait3A_742 : memref<100000x128xf32, #tpu.memory_space<hbm>>) dst(%dma_wait3A_736 : memref<50x128xf32, #tpu.memory_space<vmem>>)
      %dma_wait3A_743 = arith.constant 0 : i32
      %dma_wait3A_744 = arith.constant 50 : i32
      %dma_wait3A_745 = arith.constant 0 : i32
      %dma_wait3A_746 = tpu.memref_slice %arg9[%dma_wait3A_744, %dma_wait3A_745] : memref<100x128xf32, #tpu.memory_space<vmem>> -> memref<50x128xf32, #tpu.memory_space<vmem>>
      %dma_wait3A_747 = arith.constant 0 : i32
      %dma_wait3A_748 = tpu.memref_slice %arg5[%dma_wait3A_743, %dma_wait3A_747] : memref<128x50xi32, #tpu.memory_space<vmem>> -> memref<1x50xi32, #tpu.memory_space<vmem>>
      %dma_wait3A_749 = tpu.memref_squeeze %dma_wait3A_748 : memref<1x50xi32, #tpu.memory_space<vmem>> -> memref<50xi32, #tpu.memory_space<vmem>>
      %dma_wait3A_750 = arith.constant 0 : i32
      %dma_wait3A_751 = arith.constant 0 : i32
      %dma_wait3A_752 = tpu.memref_slice %arg2[%dma_wait3A_750, %dma_wait3A_751] : memref<100000x128xf32, #tpu.memory_space<hbm>> -> memref<100000x128xf32, #tpu.memory_space<hbm>>
      tpu.wait_indirect_dma semaphore(%arg14 : memref<!tpu.dma_semaphore, #tpu.memory_space<semaphore_mem>>) src(%dma_wait3A_752 : memref<100000x128xf32, #tpu.memory_space<hbm>>) dst(%dma_wait3A_746 : memref<50x128xf32, #tpu.memory_space<vmem>>)
      %broadcast_in_dim3A_753 = arith.constant 0.000000e+00 : f32
      %broadcast_in_dim3A_754 = vector.broadcast %broadcast_in_dim3A_753 : f32 to vector<16xf32>
      %broadcast_in_dim3A_755 = arith.constant 0.000000e+00 : f32
      %broadcast_in_dim3A_756 = vector.broadcast %broadcast_in_dim3A_755 : f32 to vector<16xf32>
      %broadcast_in_dim3A_757 = arith.constant 0.000000e+00 : f32
      %broadcast_in_dim3A_758 = vector.broadcast %broadcast_in_dim3A_757 : f32 to vector<16xf32>
      %broadcast_in_dim3A_759 = arith.constant 0.000000e+00 : f32
      %broadcast_in_dim3A_760 = vector.broadcast %broadcast_in_dim3A_759 : f32 to vector<16xf32>
      %broadcast_in_dim3A_761 = arith.constant 0.000000e+00 : f32
      %broadcast_in_dim3A_762 = vector.broadcast %broadcast_in_dim3A_761 : f32 to vector<16xf32>
      %broadcast_in_dim3A_763 = arith.constant 0.000000e+00 : f32
      %broadcast_in_dim3A_764 = vector.broadcast %broadcast_in_dim3A_763 : f32 to vector<16xf32>
      %broadcast_in_dim3A_765 = arith.constant 0.000000e+00 : f32
      %broadcast_in_dim3A_766 = vector.broadcast %broadcast_in_dim3A_765 : f32 to vector<16xf32>
      %broadcast_in_dim3A_767 = arith.constant 0.000000e+00 : f32
      %broadcast_in_dim3A_768 = vector.broadcast %broadcast_in_dim3A_767 : f32 to vector<16xf32>
      %scan3A_769 = arith.constant 0 : i32
      %scan3A_770 = arith.constant 50 : i32
      %scan3A_771 = arith.addi %scan3A_769, %scan3A_770 : i32
      %scan3A_772 = arith.constant 1 : i32
      %scan3A_773:8 = scf.for %scan3A_941 = %scan3A_769 to %scan3A_771 step %scan3A_772 iter_args(%scan3A_942 = %broadcast_in_dim3A_754, %scan3A_943 = %broadcast_in_dim3A_756, %scan3A_944 = %broadcast_in_dim3A_758, %scan3A_945 = %broadcast_in_dim3A_760, %scan3A_946 = %broadcast_in_dim3A_762, %scan3A_947 = %broadcast_in_dim3A_764, %scan3A_948 = %broadcast_in_dim3A_766, %scan3A_949 = %broadcast_in_dim3A_768) -> (vector<16xf32>, vector<16xf32>, vector<16xf32>, vector<16xf32>, vector<16xf32>, vector<16xf32>, vector<16xf32>, vector<16xf32>)  : i32 {
        %add3A_950 = arith.constant 0 : i32
        %add3A_951 = arith.addi %add3A_950, %scan3A_941 : i32
        %get3A = arith.index_cast %add3A_951 : i32 to index
        %get3A_952 = arith.constant 0 : index
        %get3A_953 = tpu.vector_load %arg9[%get3A, %get3A_952] {strides = array<i32>} : memref<100x128xf32, #tpu.memory_space<vmem>>, vector<1x16xf32>,
        %get3A_954 = vector.shape_cast %get3A_953 : vector<1x16xf32> to vector<16xf32>
        %add3A_955 = arith.addf %scan3A_942, %get3A_954 : vector<16xf32>
        %add3A_956 = arith.constant 0 : i32
        %add3A_957 = arith.addi %add3A_956, %scan3A_941 : i32
        %get3A_958 = arith.index_cast %add3A_957 : i32 to index
        %get3A_959 = arith.constant 16 : index
        %get3A_960 = tpu.vector_load %arg9[%get3A_958, %get3A_959] {strides = array<i32>} : memref<100x128xf32, #tpu.memory_space<vmem>>, vector<1x16xf32>,
        %get3A_961 = vector.shape_cast %get3A_960 : vector<1x16xf32> to vector<16xf32>
        %add3A_962 = arith.addf %scan3A_943, %get3A_961 : vector<16xf32>
        %add3A_963 = arith.constant 0 : i32
        %add3A_964 = arith.addi %add3A_963, %scan3A_941 : i32
        %get3A_965 = arith.index_cast %add3A_964 : i32 to index
        %get3A_966 = arith.constant 32 : index
        %get3A_967 = tpu.vector_load %arg9[%get3A_965, %get3A_966] {strides = array<i32>} : memref<100x128xf32, #tpu.memory_space<vmem>>, vector<1x16xf32>,
        %get3A_968 = vector.shape_cast %get3A_967 : vector<1x16xf32> to vector<16xf32>
        %add3A_969 = arith.addf %scan3A_944, %get3A_968 : vector<16xf32>
        %add3A_970 = arith.constant 0 : i32
        %add3A_971 = arith.addi %add3A_970, %scan3A_941 : i32
        %get3A_972 = arith.index_cast %add3A_971 : i32 to index
        %get3A_973 = arith.constant 48 : index
        %get3A_974 = tpu.vector_load %arg9[%get3A_972, %get3A_973] {strides = array<i32>} : memref<100x128xf32, #tpu.memory_space<vmem>>, vector<1x16xf32>,
        %get3A_975 = vector.shape_cast %get3A_974 : vector<1x16xf32> to vector<16xf32>
        %add3A_976 = arith.addf %scan3A_945, %get3A_975 : vector<16xf32>
        %add3A_977 = arith.constant 0 : i32
        %add3A_978 = arith.addi %add3A_977, %scan3A_941 : i32
        %get3A_979 = arith.index_cast %add3A_978 : i32 to index
        %get3A_980 = arith.constant 64 : index
        %get3A_981 = tpu.vector_load %arg9[%get3A_979, %get3A_980] {strides = array<i32>} : memref<100x128xf32, #tpu.memory_space<vmem>>, vector<1x16xf32>,
        %get3A_982 = vector.shape_cast %get3A_981 : vector<1x16xf32> to vector<16xf32>
        %add3A_983 = arith.addf %scan3A_946, %get3A_982 : vector<16xf32>
        %add3A_984 = arith.constant 0 : i32
        %add3A_985 = arith.addi %add3A_984, %scan3A_941 : i32
        %get3A_986 = arith.index_cast %add3A_985 : i32 to index
        %get3A_987 = arith.constant 80 : index
        %get3A_988 = tpu.vector_load %arg9[%get3A_986, %get3A_987] {strides = array<i32>} : memref<100x128xf32, #tpu.memory_space<vmem>>, vector<1x16xf32>,
        %get3A_989 = vector.shape_cast %get3A_988 : vector<1x16xf32> to vector<16xf32>
        %add3A_990 = arith.addf %scan3A_947, %get3A_989 : vector<16xf32>
        %add3A_991 = arith.constant 0 : i32
        %add3A_992 = arith.addi %add3A_991, %scan3A_941 : i32
        %get3A_993 = arith.index_cast %add3A_992 : i32 to index
        %get3A_994 = arith.constant 96 : index
        %get3A_995 = tpu.vector_load %arg9[%get3A_993, %get3A_994] {strides = array<i32>} : memref<100x128xf32, #tpu.memory_space<vmem>>, vector<1x16xf32>,
        %get3A_996 = vector.shape_cast %get3A_995 : vector<1x16xf32> to vector<16xf32>
        %add3A_997 = arith.addf %scan3A_948, %get3A_996 : vector<16xf32>
        %add3A_998 = arith.constant 0 : i32
        %add3A_999 = arith.addi %add3A_998, %scan3A_941 : i32
        %get3A_1000 = arith.index_cast %add3A_999 : i32 to index
        %get3A_1001 = arith.constant 112 : index
        %get3A_1002 = tpu.vector_load %arg9[%get3A_1000, %get3A_1001] {strides = array<i32>} : memref<100x128xf32, #tpu.memory_space<vmem>>, vector<1x16xf32>,
        %get3A_1003 = vector.shape_cast %get3A_1002 : vector<1x16xf32> to vector<16xf32>
        %add3A_1004 = arith.addf %scan3A_949, %get3A_1003 : vector<16xf32>
        scf.yield %add3A_955, %add3A_962, %add3A_969, %add3A_976, %add3A_983, %add3A_990, %add3A_997, %add3A_1004 : vector<16xf32>, vector<16xf32>, vector<16xf32>, vector<16xf32>, vector<16xf32>, vector<16xf32>, vector<16xf32>, vector<16xf32>
      }
      %scan3A_774 = arith.constant 50 : i32
      %mul3A_775 = arith.constant 2 : i32
      %mul3A_776 = arith.muli %add3A_723, %mul3A_775 : i32
      %add3A_777 = arith.constant 0 : i32
      %add3A_778 = arith.addi %mul3A_776, %add3A_777 : i32
      %swap3A_779 = arith.index_cast %add3A_778 : i32 to index
      %swap3A_780 = arith.constant 0 : index
      %swap3A_781 = tpu.vector_load %arg10[%swap3A_779, %swap3A_780] {strides = array<i32>} : memref<128x128xf32, #tpu.memory_space<vmem>>, vector<1x16xf32>,
      %swap3A_782 = vector.shape_cast %swap3A_781 : vector<1x16xf32> to vector<16xf32>
      %swap3A_783 = vector.shape_cast %scan3A_773#0 : vector<16xf32> to vector<1x16xf32>
      tpu.vector_store %arg10[%swap3A_779, %swap3A_780], %swap3A_783 {strides = array<i32>} : memref<128x128xf32, #tpu.memory_space<vmem>>, vector<1x16xf32>,
      %mul3A_784 = arith.constant 2 : i32
      %mul3A_785 = arith.muli %add3A_723, %mul3A_784 : i32
      %add3A_786 = arith.constant 0 : i32
      %add3A_787 = arith.addi %mul3A_785, %add3A_786 : i32
      %swap3A_788 = arith.index_cast %add3A_787 : i32 to index
      %swap3A_789 = arith.constant 16 : index
      %swap3A_790 = tpu.vector_load %arg10[%swap3A_788, %swap3A_789] {strides = array<i32>} : memref<128x128xf32, #tpu.memory_space<vmem>>, vector<1x16xf32>,
      %swap3A_791 = vector.shape_cast %swap3A_790 : vector<1x16xf32> to vector<16xf32>
      %swap3A_792 = vector.shape_cast %scan3A_773#1 : vector<16xf32> to vector<1x16xf32>
      tpu.vector_store %arg10[%swap3A_788, %swap3A_789], %swap3A_792 {strides = array<i32>} : memref<128x128xf32, #tpu.memory_space<vmem>>, vector<1x16xf32>,
      %mul3A_793 = arith.constant 2 : i32
      %mul3A_794 = arith.muli %add3A_723, %mul3A_793 : i32
      %add3A_795 = arith.constant 0 : i32
      %add3A_796 = arith.addi %mul3A_794, %add3A_795 : i32
      %swap3A_797 = arith.index_cast %add3A_796 : i32 to index
      %swap3A_798 = arith.constant 32 : index
      %swap3A_799 = tpu.vector_load %arg10[%swap3A_797, %swap3A_798] {strides = array<i32>} : memref<128x128xf32, #tpu.memory_space<vmem>>, vector<1x16xf32>,
      %swap3A_800 = vector.shape_cast %swap3A_799 : vector<1x16xf32> to vector<16xf32>
      %swap3A_801 = vector.shape_cast %scan3A_773#2 : vector<16xf32> to vector<1x16xf32>
      tpu.vector_store %arg10[%swap3A_797, %swap3A_798], %swap3A_801 {strides = array<i32>} : memref<128x128xf32, #tpu.memory_space<vmem>>, vector<1x16xf32>,
      %mul3A_802 = arith.constant 2 : i32
      %mul3A_803 = arith.muli %add3A_723, %mul3A_802 : i32
      %add3A_804 = arith.constant 0 : i32
      %add3A_805 = arith.addi %mul3A_803, %add3A_804 : i32
      %swap3A_806 = arith.index_cast %add3A_805 : i32 to index
      %swap3A_807 = arith.constant 48 : index
      %swap3A_808 = tpu.vector_load %arg10[%swap3A_806, %swap3A_807] {strides = array<i32>} : memref<128x128xf32, #tpu.memory_space<vmem>>, vector<1x16xf32>,
      %swap3A_809 = vector.shape_cast %swap3A_808 : vector<1x16xf32> to vector<16xf32>
      %swap3A_810 = vector.shape_cast %scan3A_773#3 : vector<16xf32> to vector<1x16xf32>
      tpu.vector_store %arg10[%swap3A_806, %swap3A_807], %swap3A_810 {strides = array<i32>} : memref<128x128xf32, #tpu.memory_space<vmem>>, vector<1x16xf32>,
      %mul3A_811 = arith.constant 2 : i32
      %mul3A_812 = arith.muli %add3A_723, %mul3A_811 : i32
      %add3A_813 = arith.constant 0 : i32
      %add3A_814 = arith.addi %mul3A_812, %add3A_813 : i32
      %swap3A_815 = arith.index_cast %add3A_814 : i32 to index
      %swap3A_816 = arith.constant 64 : index
      %swap3A_817 = tpu.vector_load %arg10[%swap3A_815, %swap3A_816] {strides = array<i32>} : memref<128x128xf32, #tpu.memory_space<vmem>>, vector<1x16xf32>,
      %swap3A_818 = vector.shape_cast %swap3A_817 : vector<1x16xf32> to vector<16xf32>
      %swap3A_819 = vector.shape_cast %scan3A_773#4 : vector<16xf32> to vector<1x16xf32>
      tpu.vector_store %arg10[%swap3A_815, %swap3A_816], %swap3A_819 {strides = array<i32>} : memref<128x128xf32, #tpu.memory_space<vmem>>, vector<1x16xf32>,
      %mul3A_820 = arith.constant 2 : i32
      %mul3A_821 = arith.muli %add3A_723, %mul3A_820 : i32
      %add3A_822 = arith.constant 0 : i32
      %add3A_823 = arith.addi %mul3A_821, %add3A_822 : i32
      %swap3A_824 = arith.index_cast %add3A_823 : i32 to index
      %swap3A_825 = arith.constant 80 : index
      %swap3A_826 = tpu.vector_load %arg10[%swap3A_824, %swap3A_825] {strides = array<i32>} : memref<128x128xf32, #tpu.memory_space<vmem>>, vector<1x16xf32>,
      %swap3A_827 = vector.shape_cast %swap3A_826 : vector<1x16xf32> to vector<16xf32>
      %swap3A_828 = vector.shape_cast %scan3A_773#5 : vector<16xf32> to vector<1x16xf32>
      tpu.vector_store %arg10[%swap3A_824, %swap3A_825], %swap3A_828 {strides = array<i32>} : memref<128x128xf32, #tpu.memory_space<vmem>>, vector<1x16xf32>,
      %mul3A_829 = arith.constant 2 : i32
      %mul3A_830 = arith.muli %add3A_723, %mul3A_829 : i32
      %add3A_831 = arith.constant 0 : i32
      %add3A_832 = arith.addi %mul3A_830, %add3A_831 : i32
      %swap3A_833 = arith.index_cast %add3A_832 : i32 to index
      %swap3A_834 = arith.constant 96 : index
      %swap3A_835 = tpu.vector_load %arg10[%swap3A_833, %swap3A_834] {strides = array<i32>} : memref<128x128xf32, #tpu.memory_space<vmem>>, vector<1x16xf32>,
      %swap3A_836 = vector.shape_cast %swap3A_835 : vector<1x16xf32> to vector<16xf32>
      %swap3A_837 = vector.shape_cast %scan3A_773#6 : vector<16xf32> to vector<1x16xf32>
      tpu.vector_store %arg10[%swap3A_833, %swap3A_834], %swap3A_837 {strides = array<i32>} : memref<128x128xf32, #tpu.memory_space<vmem>>, vector<1x16xf32>,
      %mul3A_838 = arith.constant 2 : i32
      %mul3A_839 = arith.muli %add3A_723, %mul3A_838 : i32
      %add3A_840 = arith.constant 0 : i32
      %add3A_841 = arith.addi %mul3A_839, %add3A_840 : i32
      %swap3A_842 = arith.index_cast %add3A_841 : i32 to index
      %swap3A_843 = arith.constant 112 : index
      %swap3A_844 = tpu.vector_load %arg10[%swap3A_842, %swap3A_843] {strides = array<i32>} : memref<128x128xf32, #tpu.memory_space<vmem>>, vector<1x16xf32>,
      %swap3A_845 = vector.shape_cast %swap3A_844 : vector<1x16xf32> to vector<16xf32>
      %swap3A_846 = vector.shape_cast %scan3A_773#7 : vector<16xf32> to vector<1x16xf32>
      tpu.vector_store %arg10[%swap3A_842, %swap3A_843], %swap3A_846 {strides = array<i32>} : memref<128x128xf32, #tpu.memory_space<vmem>>, vector<1x16xf32>,
      %broadcast_in_dim3A_847 = arith.constant 0.000000e+00 : f32
      %broadcast_in_dim3A_848 = vector.broadcast %broadcast_in_dim3A_847 : f32 to vector<16xf32>
      %broadcast_in_dim3A_849 = arith.constant 0.000000e+00 : f32
      %broadcast_in_dim3A_850 = vector.broadcast %broadcast_in_dim3A_849 : f32 to vector<16xf32>
      %broadcast_in_dim3A_851 = arith.constant 0.000000e+00 : f32
      %broadcast_in_dim3A_852 = vector.broadcast %broadcast_in_dim3A_851 : f32 to vector<16xf32>
      %broadcast_in_dim3A_853 = arith.constant 0.000000e+00 : f32
      %broadcast_in_dim3A_854 = vector.broadcast %broadcast_in_dim3A_853 : f32 to vector<16xf32>
      %broadcast_in_dim3A_855 = arith.constant 0.000000e+00 : f32
      %broadcast_in_dim3A_856 = vector.broadcast %broadcast_in_dim3A_855 : f32 to vector<16xf32>
      %broadcast_in_dim3A_857 = arith.constant 0.000000e+00 : f32
      %broadcast_in_dim3A_858 = vector.broadcast %broadcast_in_dim3A_857 : f32 to vector<16xf32>
      %broadcast_in_dim3A_859 = arith.constant 0.000000e+00 : f32
      %broadcast_in_dim3A_860 = vector.broadcast %broadcast_in_dim3A_859 : f32 to vector<16xf32>
      %broadcast_in_dim3A_861 = arith.constant 0.000000e+00 : f32
      %broadcast_in_dim3A_862 = vector.broadcast %broadcast_in_dim3A_861 : f32 to vector<16xf32>
      %scan3A_863 = arith.constant 0 : i32
      %scan3A_864 = arith.constant 50 : i32
      %scan3A_865 = arith.addi %scan3A_863, %scan3A_864 : i32
      %scan3A_866 = arith.constant 1 : i32
      %scan3A_867:8 = scf.for %scan3A_941 = %scan3A_863 to %scan3A_865 step %scan3A_866 iter_args(%scan3A_942 = %broadcast_in_dim3A_848, %scan3A_943 = %broadcast_in_dim3A_850, %scan3A_944 = %broadcast_in_dim3A_852, %scan3A_945 = %broadcast_in_dim3A_854, %scan3A_946 = %broadcast_in_dim3A_856, %scan3A_947 = %broadcast_in_dim3A_858, %scan3A_948 = %broadcast_in_dim3A_860, %scan3A_949 = %broadcast_in_dim3A_862) -> (vector<16xf32>, vector<16xf32>, vector<16xf32>, vector<16xf32>, vector<16xf32>, vector<16xf32>, vector<16xf32>, vector<16xf32>)  : i32 {
        %add3A_950 = arith.constant 50 : i32
        %add3A_951 = arith.addi %add3A_950, %scan3A_941 : i32
        %get3A = arith.index_cast %add3A_951 : i32 to index
        %get3A_952 = arith.constant 0 : index
        %get3A_953 = tpu.vector_load %arg9[%get3A, %get3A_952] {strides = array<i32>} : memref<100x128xf32, #tpu.memory_space<vmem>>, vector<1x16xf32>,
        %get3A_954 = vector.shape_cast %get3A_953 : vector<1x16xf32> to vector<16xf32>
        %add3A_955 = arith.addf %scan3A_942, %get3A_954 : vector<16xf32>
        %add3A_956 = arith.constant 50 : i32
        %add3A_957 = arith.addi %add3A_956, %scan3A_941 : i32
        %get3A_958 = arith.index_cast %add3A_957 : i32 to index
        %get3A_959 = arith.constant 16 : index
        %get3A_960 = tpu.vector_load %arg9[%get3A_958, %get3A_959] {strides = array<i32>} : memref<100x128xf32, #tpu.memory_space<vmem>>, vector<1x16xf32>,
        %get3A_961 = vector.shape_cast %get3A_960 : vector<1x16xf32> to vector<16xf32>
        %add3A_962 = arith.addf %scan3A_943, %get3A_961 : vector<16xf32>
        %add3A_963 = arith.constant 50 : i32
        %add3A_964 = arith.addi %add3A_963, %scan3A_941 : i32
        %get3A_965 = arith.index_cast %add3A_964 : i32 to index
        %get3A_966 = arith.constant 32 : index
        %get3A_967 = tpu.vector_load %arg9[%get3A_965, %get3A_966] {strides = array<i32>} : memref<100x128xf32, #tpu.memory_space<vmem>>, vector<1x16xf32>,
        %get3A_968 = vector.shape_cast %get3A_967 : vector<1x16xf32> to vector<16xf32>
        %add3A_969 = arith.addf %scan3A_944, %get3A_968 : vector<16xf32>
        %add3A_970 = arith.constant 50 : i32
        %add3A_971 = arith.addi %add3A_970, %scan3A_941 : i32
        %get3A_972 = arith.index_cast %add3A_971 : i32 to index
        %get3A_973 = arith.constant 48 : index
        %get3A_974 = tpu.vector_load %arg9[%get3A_972, %get3A_973] {strides = array<i32>} : memref<100x128xf32, #tpu.memory_space<vmem>>, vector<1x16xf32>,
        %get3A_975 = vector.shape_cast %get3A_974 : vector<1x16xf32> to vector<16xf32>
        %add3A_976 = arith.addf %scan3A_945, %get3A_975 : vector<16xf32>
        %add3A_977 = arith.constant 50 : i32
        %add3A_978 = arith.addi %add3A_977, %scan3A_941 : i32
        %get3A_979 = arith.index_cast %add3A_978 : i32 to index
        %get3A_980 = arith.constant 64 : index
        %get3A_981 = tpu.vector_load %arg9[%get3A_979, %get3A_980] {strides = array<i32>} : memref<100x128xf32, #tpu.memory_space<vmem>>, vector<1x16xf32>,
        %get3A_982 = vector.shape_cast %get3A_981 : vector<1x16xf32> to vector<16xf32>
        %add3A_983 = arith.addf %scan3A_946, %get3A_982 : vector<16xf32>
        %add3A_984 = arith.constant 50 : i32
        %add3A_985 = arith.addi %add3A_984, %scan3A_941 : i32
        %get3A_986 = arith.index_cast %add3A_985 : i32 to index
        %get3A_987 = arith.constant 80 : index
        %get3A_988 = tpu.vector_load %arg9[%get3A_986, %get3A_987] {strides = array<i32>} : memref<100x128xf32, #tpu.memory_space<vmem>>, vector<1x16xf32>,
        %get3A_989 = vector.shape_cast %get3A_988 : vector<1x16xf32> to vector<16xf32>
        %add3A_990 = arith.addf %scan3A_947, %get3A_989 : vector<16xf32>
        %add3A_991 = arith.constant 50 : i32
        %add3A_992 = arith.addi %add3A_991, %scan3A_941 : i32
        %get3A_993 = arith.index_cast %add3A_992 : i32 to index
        %get3A_994 = arith.constant 96 : index
        %get3A_995 = tpu.vector_load %arg9[%get3A_993, %get3A_994] {strides = array<i32>} : memref<100x128xf32, #tpu.memory_space<vmem>>, vector<1x16xf32>,
        %get3A_996 = vector.shape_cast %get3A_995 : vector<1x16xf32> to vector<16xf32>
        %add3A_997 = arith.addf %scan3A_948, %get3A_996 : vector<16xf32>
        %add3A_998 = arith.constant 50 : i32
        %add3A_999 = arith.addi %add3A_998, %scan3A_941 : i32
        %get3A_1000 = arith.index_cast %add3A_999 : i32 to index
        %get3A_1001 = arith.constant 112 : index
        %get3A_1002 = tpu.vector_load %arg9[%get3A_1000, %get3A_1001] {strides = array<i32>} : memref<100x128xf32, #tpu.memory_space<vmem>>, vector<1x16xf32>,
        %get3A_1003 = vector.shape_cast %get3A_1002 : vector<1x16xf32> to vector<16xf32>
        %add3A_1004 = arith.addf %scan3A_949, %get3A_1003 : vector<16xf32>
        scf.yield %add3A_955, %add3A_962, %add3A_969, %add3A_976, %add3A_983, %add3A_990, %add3A_997, %add3A_1004 : vector<16xf32>, vector<16xf32>, vector<16xf32>, vector<16xf32>, vector<16xf32>, vector<16xf32>, vector<16xf32>, vector<16xf32>
      }
      %scan3A_868 = arith.constant 50 : i32
      %mul3A_869 = arith.constant 2 : i32
      %mul3A_870 = arith.muli %add3A_723, %mul3A_869 : i32
      %add3A_871 = arith.constant 1 : i32
      %add3A_872 = arith.addi %mul3A_870, %add3A_871 : i32
      %swap3A_873 = arith.index_cast %add3A_872 : i32 to index
      %swap3A_874 = arith.constant 0 : index
      %swap3A_875 = tpu.vector_load %arg10[%swap3A_873, %swap3A_874] {strides = array<i32>} : memref<128x128xf32, #tpu.memory_space<vmem>>, vector<1x16xf32>,
      %swap3A_876 = vector.shape_cast %swap3A_875 : vector<1x16xf32> to vector<16xf32>
      %swap3A_877 = vector.shape_cast %scan3A_867#0 : vector<16xf32> to vector<1x16xf32>
      tpu.vector_store %arg10[%swap3A_873, %swap3A_874], %swap3A_877 {strides = array<i32>} : memref<128x128xf32, #tpu.memory_space<vmem>>, vector<1x16xf32>,
      %mul3A_878 = arith.constant 2 : i32
      %mul3A_879 = arith.muli %add3A_723, %mul3A_878 : i32
      %add3A_880 = arith.constant 1 : i32
      %add3A_881 = arith.addi %mul3A_879, %add3A_880 : i32
      %swap3A_882 = arith.index_cast %add3A_881 : i32 to index
      %swap3A_883 = arith.constant 16 : index
      %swap3A_884 = tpu.vector_load %arg10[%swap3A_882, %swap3A_883] {strides = array<i32>} : memref<128x128xf32, #tpu.memory_space<vmem>>, vector<1x16xf32>,
      %swap3A_885 = vector.shape_cast %swap3A_884 : vector<1x16xf32> to vector<16xf32>
      %swap3A_886 = vector.shape_cast %scan3A_867#1 : vector<16xf32> to vector<1x16xf32>
      tpu.vector_store %arg10[%swap3A_882, %swap3A_883], %swap3A_886 {strides = array<i32>} : memref<128x128xf32, #tpu.memory_space<vmem>>, vector<1x16xf32>,
      %mul3A_887 = arith.constant 2 : i32
      %mul3A_888 = arith.muli %add3A_723, %mul3A_887 : i32
      %add3A_889 = arith.constant 1 : i32
      %add3A_890 = arith.addi %mul3A_888, %add3A_889 : i32
      %swap3A_891 = arith.index_cast %add3A_890 : i32 to index
      %swap3A_892 = arith.constant 32 : index
      %swap3A_893 = tpu.vector_load %arg10[%swap3A_891, %swap3A_892] {strides = array<i32>} : memref<128x128xf32, #tpu.memory_space<vmem>>, vector<1x16xf32>,
      %swap3A_894 = vector.shape_cast %swap3A_893 : vector<1x16xf32> to vector<16xf32>
      %swap3A_895 = vector.shape_cast %scan3A_867#2 : vector<16xf32> to vector<1x16xf32>
      tpu.vector_store %arg10[%swap3A_891, %swap3A_892], %swap3A_895 {strides = array<i32>} : memref<128x128xf32, #tpu.memory_space<vmem>>, vector<1x16xf32>,
      %mul3A_896 = arith.constant 2 : i32
      %mul3A_897 = arith.muli %add3A_723, %mul3A_896 : i32
      %add3A_898 = arith.constant 1 : i32
      %add3A_899 = arith.addi %mul3A_897, %add3A_898 : i32
      %swap3A_900 = arith.index_cast %add3A_899 : i32 to index
      %swap3A_901 = arith.constant 48 : index
      %swap3A_902 = tpu.vector_load %arg10[%swap3A_900, %swap3A_901] {strides = array<i32>} : memref<128x128xf32, #tpu.memory_space<vmem>>, vector<1x16xf32>,
      %swap3A_903 = vector.shape_cast %swap3A_902 : vector<1x16xf32> to vector<16xf32>
      %swap3A_904 = vector.shape_cast %scan3A_867#3 : vector<16xf32> to vector<1x16xf32>
      tpu.vector_store %arg10[%swap3A_900, %swap3A_901], %swap3A_904 {strides = array<i32>} : memref<128x128xf32, #tpu.memory_space<vmem>>, vector<1x16xf32>,
      %mul3A_905 = arith.constant 2 : i32
      %mul3A_906 = arith.muli %add3A_723, %mul3A_905 : i32
      %add3A_907 = arith.constant 1 : i32
      %add3A_908 = arith.addi %mul3A_906, %add3A_907 : i32
      %swap3A_909 = arith.index_cast %add3A_908 : i32 to index
      %swap3A_910 = arith.constant 64 : index
      %swap3A_911 = tpu.vector_load %arg10[%swap3A_909, %swap3A_910] {strides = array<i32>} : memref<128x128xf32, #tpu.memory_space<vmem>>, vector<1x16xf32>,
      %swap3A_912 = vector.shape_cast %swap3A_911 : vector<1x16xf32> to vector<16xf32>
      %swap3A_913 = vector.shape_cast %scan3A_867#4 : vector<16xf32> to vector<1x16xf32>
      tpu.vector_store %arg10[%swap3A_909, %swap3A_910], %swap3A_913 {strides = array<i32>} : memref<128x128xf32, #tpu.memory_space<vmem>>, vector<1x16xf32>,
      %mul3A_914 = arith.constant 2 : i32
      %mul3A_915 = arith.muli %add3A_723, %mul3A_914 : i32
      %add3A_916 = arith.constant 1 : i32
      %add3A_917 = arith.addi %mul3A_915, %add3A_916 : i32
      %swap3A_918 = arith.index_cast %add3A_917 : i32 to index
      %swap3A_919 = arith.constant 80 : index
      %swap3A_920 = tpu.vector_load %arg10[%swap3A_918, %swap3A_919] {strides = array<i32>} : memref<128x128xf32, #tpu.memory_space<vmem>>, vector<1x16xf32>,
      %swap3A_921 = vector.shape_cast %swap3A_920 : vector<1x16xf32> to vector<16xf32>
      %swap3A_922 = vector.shape_cast %scan3A_867#5 : vector<16xf32> to vector<1x16xf32>
      tpu.vector_store %arg10[%swap3A_918, %swap3A_919], %swap3A_922 {strides = array<i32>} : memref<128x128xf32, #tpu.memory_space<vmem>>, vector<1x16xf32>,
      %mul3A_923 = arith.constant 2 : i32
      %mul3A_924 = arith.muli %add3A_723, %mul3A_923 : i32
      %add3A_925 = arith.constant 1 : i32
      %add3A_926 = arith.addi %mul3A_924, %add3A_925 : i32
      %swap3A_927 = arith.index_cast %add3A_926 : i32 to index
      %swap3A_928 = arith.constant 96 : index
      %swap3A_929 = tpu.vector_load %arg10[%swap3A_927, %swap3A_928] {strides = array<i32>} : memref<128x128xf32, #tpu.memory_space<vmem>>, vector<1x16xf32>,
      %swap3A_930 = vector.shape_cast %swap3A_929 : vector<1x16xf32> to vector<16xf32>
      %swap3A_931 = vector.shape_cast %scan3A_867#6 : vector<16xf32> to vector<1x16xf32>
      tpu.vector_store %arg10[%swap3A_927, %swap3A_928], %swap3A_931 {strides = array<i32>} : memref<128x128xf32, #tpu.memory_space<vmem>>, vector<1x16xf32>,
      %mul3A_932 = arith.constant 2 : i32
      %mul3A_933 = arith.muli %add3A_723, %mul3A_932 : i32
      %add3A_934 = arith.constant 1 : i32
      %add3A_935 = arith.addi %mul3A_933, %add3A_934 : i32
      %swap3A_936 = arith.index_cast %add3A_935 : i32 to index
      %swap3A_937 = arith.constant 112 : index
      %swap3A_938 = tpu.vector_load %arg10[%swap3A_936, %swap3A_937] {strides = array<i32>} : memref<128x128xf32, #tpu.memory_space<vmem>>, vector<1x16xf32>,
      %swap3A_939 = vector.shape_cast %swap3A_938 : vector<1x16xf32> to vector<16xf32>
      %swap3A_940 = vector.shape_cast %scan3A_867#7 : vector<16xf32> to vector<1x16xf32>
      tpu.vector_store %arg10[%swap3A_936, %swap3A_937], %swap3A_940 {strides = array<i32>} : memref<128x128xf32, #tpu.memory_space<vmem>>, vector<1x16xf32>,
    }
    %scan3A_66 = arith.constant 16 : i32
    %mul3A_67 = arith.constant 128 : i32
    %mul3A_68 = arith.muli %add3A, %mul3A_67 : i32
    "tpu.region"() ({
      %run_scoped3A = tpu.sem_alloc : memref<!tpu.dma_semaphore, #tpu.memory_space<semaphore_mem>>
      %dma_start3A_69 = arith.constant 0 : i32
      %dma_start3A_70 = tpu.memref_slice %arg4[%mul3A_68, %dma_start3A_69] : memref<4096x128xf32, #tpu.memory_space<hbm>> -> memref<128x128xf32, #tpu.memory_space<hbm>>
      %dma_start3A_71 = arith.constant 0 : i32
      %dma_start3A_72 = tpu.memref_slice %arg4[%mul3A_68, %dma_start3A_71] : memref<4096x128xf32, #tpu.memory_space<hbm>> -> memref<128x128xf32, #tpu.memory_space<hbm>>
      tpu.enqueue_dma source(%arg10 : memref<128x128xf32, #tpu.memory_space<vmem>>) target(%dma_start3A_72 : memref<128x128xf32, #tpu.memory_space<hbm>>) target_semaphore(%run_scoped3A : memref<!tpu.dma_semaphore, #tpu.memory_space<semaphore_mem>>)
      %dma_wait3A = arith.constant 0 : i32
      %dma_wait3A_73 = tpu.memref_slice %arg4[%mul3A_68, %dma_wait3A] : memref<4096x128xf32, #tpu.memory_space<hbm>> -> memref<128x128xf32, #tpu.memory_space<hbm>>
      %dma_wait3A_74 = arith.constant 0 : i32
      %dma_wait3A_75 = tpu.memref_slice %arg4[%mul3A_68, %dma_wait3A_74] : memref<4096x128xf32, #tpu.memory_space<hbm>> -> memref<128x128xf32, #tpu.memory_space<hbm>>
      tpu.wait_dma2 semaphore(%run_scoped3A : memref<!tpu.dma_semaphore, #tpu.memory_space<semaphore_mem>>) src(%arg10 : memref<128x128xf32, #tpu.memory_space<vmem>>) dst(%dma_wait3A_75 : memref<128x128xf32, #tpu.memory_space<hbm>>)
      tpu.yield
    }) : () -> ()
    return
  }
}

module attributes {stable_mosaic.version = 14 : i64} {
  func.func @body(%arg0: i32, %arg1: memref<4096x128xf32, #tpu.memory_space<vmem>>, %arg2: memref<4096x1xi32, #tpu.memory_space<vmem>>, %arg3: memref<128x256xf32, #tpu.memory_space<vmem>>, %arg4: memref<1x256xf32, #tpu.memory_space<vmem>>, %arg5: memref<5x256xf32, #tpu.memory_space<vmem>>, %arg6: memref<5x1xf32, #tpu.memory_space<vmem>>, %arg7: memref<5x4096xf32, #tpu.memory_space<vmem>>) attributes {dimension_semantics = [#tpu.dimension_semantics<arbitrary>], iteration_bounds = array<i64: 1>, scalar_prefetch = 0 : i64, scratch_operands = 0 : i64, tpu.core_type = #tpu.core_type<tc>, window_params = [{transform_indices = @transform_0, window_bounds = array<i64: 4096, 128>}, {transform_indices = @transform_1, window_bounds = array<i64: 4096, 1>}, {pipeline_mode = #tpu.pipeline_mode<synchronous>, transform_indices = @transform_2, window_bounds = array<i64: 128, 256>}, {pipeline_mode = #tpu.pipeline_mode<synchronous>, transform_indices = @transform_3, window_bounds = array<i64: 1, 256>}, {pipeline_mode = #tpu.pipeline_mode<synchronous>, transform_indices = @transform_4, window_bounds = array<i64: 5, 256>}, {pipeline_mode = #tpu.pipeline_mode<synchronous>, transform_indices = @transform_5, window_bounds = array<i64: 5, 1>}, {transform_indices = @transform_6, window_bounds = array<i64: 5, 4096>}]} {
    %get3A = arith.constant 0 : index
    %get3A_0 = arith.constant 0 : index
    %get3A_1 = vector.load %arg1[%get3A, %get3A_0] : memref<4096x128xf32, #tpu.memory_space<vmem>>, vector<4096x128xf32>
    %get3A_2 = arith.constant 0 : index
    %get3A_3 = arith.constant 0 : index
    %get3A_4 = vector.load %arg2[%get3A_2, %get3A_3] : memref<4096x1xi32, #tpu.memory_space<vmem>>, vector<4096x1xi32>
    %convert_element_type3A = arith.sitofp %get3A_4 : vector<4096x1xi32> to vector<4096x1xf32>
    %div3A = vector.broadcast %convert_element_type3A : vector<4096x1xf32> to vector<4096x128xf32>
    %div3A_5 = arith.divf %get3A_1, %div3A : vector<4096x128xf32>
    %get3A_6 = arith.constant 0 : index
    %get3A_7 = arith.constant 0 : index
    %get3A_8 = vector.load %arg3[%get3A_6, %get3A_7] : memref<128x256xf32, #tpu.memory_space<vmem>>, vector<128x256xf32>
    %dot_general3A = arith.constant dense<0.000000e+00> : vector<4096x256xf32>
    %dot_general3A_9 = tpu.matmul %div3A_5, %get3A_8, %dot_general3A {dimension_numbers = #tpu.dot_dimension_numbers<[1], [0], [0], [1], [0, 0, 1, 1], [], []>, transpose_lhs_hint = false} : vector<4096x128xf32>, vector<128x256xf32>, vector<4096x256xf32> -> vector<4096x256xf32>
    %get3A_10 = arith.constant 0 : index
    %get3A_11 = arith.constant 0 : index
    %get3A_12 = vector.load %arg4[%get3A_10, %get3A_11] : memref<1x256xf32, #tpu.memory_space<vmem>>, vector<1x256xf32>
    %add3A = vector.broadcast %get3A_12 : vector<1x256xf32> to vector<4096x256xf32>
    %add3A_13 = arith.addf %dot_general3A_9, %add3A : vector<4096x256xf32>
    %max3A = arith.constant 0.000000e+00 : f32
    %max3A_14 = vector.broadcast %max3A : f32 to vector<4096x256xf32>
    %max3A_15 = arith.maximumf %add3A_13, %max3A_14 : vector<4096x256xf32>
    %get3A_16 = arith.constant 0 : index
    %get3A_17 = arith.constant 0 : index
    %get3A_18 = vector.load %arg5[%get3A_16, %get3A_17] : memref<5x256xf32, #tpu.memory_space<vmem>>, vector<5x256xf32>
    %dot_general3A_19 = arith.constant dense<0.000000e+00> : vector<5x4096xf32>
    %dot_general3A_20 = tpu.matmul %get3A_18, %max3A_15, %dot_general3A_19 {dimension_numbers = #tpu.dot_dimension_numbers<[1], [1], [0], [0], [0, 0, 1, 0], [], []>, transpose_lhs_hint = false} : vector<5x256xf32>, vector<4096x256xf32>, vector<5x4096xf32> -> vector<5x4096xf32>
    %get3A_21 = arith.constant 0 : index
    %get3A_22 = arith.constant 0 : index
    %get3A_23 = vector.load %arg6[%get3A_21, %get3A_22] : memref<5x1xf32, #tpu.memory_space<vmem>>, vector<5x1xf32>
    %add3A_24 = vector.broadcast %get3A_23 : vector<5x1xf32> to vector<5x4096xf32>
    %add3A_25 = arith.addf %dot_general3A_20, %add3A_24 : vector<5x4096xf32>
    %swap3A = arith.constant 0 : index
    %swap3A_26 = arith.constant 0 : index
    %swap3A_27 = vector.load %arg7[%swap3A, %swap3A_26] : memref<5x4096xf32, #tpu.memory_space<vmem>>, vector<5x4096xf32>
    tpu.vector_store %arg7[%swap3A, %swap3A_26], %add3A_25 {strides = array<i32>} : memref<5x4096xf32, #tpu.memory_space<vmem>>, vector<5x4096xf32>,
    return
  }
  func.func @transform_0(%arg0: i32) -> (i32, i32) {
    %c0_i32 = arith.constant 0 : i32
    %c0_i32_0 = arith.constant 0 : i32
    return %arg0, %c0_i32 : i32, i32
  }
  func.func @transform_1(%arg0: i32) -> (i32, i32) {
    %c0_i32 = arith.constant 0 : i32
    %c0_i32_0 = arith.constant 0 : i32
    return %arg0, %c0_i32 : i32, i32
  }
  func.func @transform_2(%arg0: i32) -> (i32, i32) {
    %c0_i32 = arith.constant 0 : i32
    %c0_i32_0 = arith.constant 0 : i32
    %c0_i32_1 = arith.constant 0 : i32
    return %c0_i32, %c0_i32_0 : i32, i32
  }
  func.func @transform_3(%arg0: i32) -> (i32, i32) {
    %c0_i32 = arith.constant 0 : i32
    %c0_i32_0 = arith.constant 0 : i32
    %c0_i32_1 = arith.constant 0 : i32
    return %c0_i32, %c0_i32_0 : i32, i32
  }
  func.func @transform_4(%arg0: i32) -> (i32, i32) {
    %c0_i32 = arith.constant 0 : i32
    %c0_i32_0 = arith.constant 0 : i32
    %c0_i32_1 = arith.constant 0 : i32
    return %c0_i32, %c0_i32_0 : i32, i32
  }
  func.func @transform_5(%arg0: i32) -> (i32, i32) {
    %c0_i32 = arith.constant 0 : i32
    %c0_i32_0 = arith.constant 0 : i32
    %c0_i32_1 = arith.constant 0 : i32
    return %c0_i32, %c0_i32_0 : i32, i32
  }
  func.func @transform_6(%arg0: i32) -> (i32, i32) {
    %c0_i32 = arith.constant 0 : i32
    %c0_i32_0 = arith.constant 0 : i32
    return %c0_i32, %arg0 : i32, i32
  }
}

</mosaic_0001>

<sc_bundles>
// kernel: kernel.4.cloned.1.call-start
scs
__scs_entry_jumppad:
0x0: {  	(pc) =	sbr.rel $0x88, $3  }
0x1: {  	(tag) =	ssettag $0x0;
	lr =	simm.s32 $0x1  }
0x2: {  	[smem:$0x3F9A] =	sst lr;
	_ =	strace $0xD0000000  }
0x3: {  	_ = 	snop  }
0x4: {  	_ = 	snop  }
0x5: {  	_ = 	snop  }
0x6: {  	_ = 	snop  }
0x7: {  	_ = 	snop  }
__scs_overlays_trampoline_lowered:
0x8: {  	[smem:$0x3FA9] =	sst s0  }
0x9: {  	[smem:$0x3FAA] =	sst s1  }
0xa: {  	[smem:$0x3FAB] =	sst s2  }
0xb: {  	[smem:$0x3FAC] =	sst s3  }
0xc: {  	[smem:$0x3FAD] =	sst s4  }
0xd: {  	[smem:$0x3FAE] =	sst s5  }
0xe: {  	[smem:$0x3FAF] =	sst s6  }
0xf: {  	[smem:$0x3FB0] =	sst s7  }
0x10: {  	[smem:$0x3FB1] =	sst s8  }
0x11: {  	[smem:$0x3FB2] =	sst s9;
	s0 =	simm.s32 @!p0 $0x0  }
0x12: {  	s1 =	sld [smem:$0x3F98];
	s0 =	simm.s32 @p0 $0x1  }
0x13: {  	[smem:$0x3FB3] =	sst s0;
	s0 =	simm.s32 @!p1 $0x0  }
0x14: {  	s2 =	sld [smem:$0x3F97];
	s0 =	simm.s32 @p1 $0x1  }
0x15: {  	[smem:$0x3FB4] =	sst s0;
	s0 =	simm.s32 @!p2 $0x0  }
0x16: {  	s3 =	sld [smem:$0x3FDB];
	s0 =	simm.s32 @p2 $0x1  }
0x17: {  	s4 =	simm.s32 $0x1BF5;
	[smem:$0x3FB6] =	sst s0  }
0x18: {  	s0 =	sld [smem:$0x3F99];
	_ =	swait.ge [sflag:s4], $0x0  }
0x19: {  	s7 =	sld [smem:$0x3F9A]  }
0x1a: {  	s8 =	sadd.s32 $0xFFFFE003, lr  }
0x1b: {  	s9 =	sadd.s32 $0xFFFFFEF7, lr;
	s5 =	simm.s32 $0xFFFFFFFF;
	p2 =	slt.u32 s8, $0xFFFFF086  }
0x1c: {  	p1 =	slt.u32 s9, $0xF7A;
	s5 =	simm.s32 @!p2 $0x0  }
0x1d: {  	s5 =	simm.s32 @p1 $0x1;
	p0 =	seq.s32 s7, s2  }
0x1e: {  	s7 =	smul.u32 @!p0 $0xF7A, s2;
	p2 =	seq.s32 @!p0 s5, $0x0  }
0x1f: {  	s9 =	smul.u32 $0xF7A, s1;
	s8 =	simm.s32 @!p0 $0x1BF5;
	p2 =	por !p2, p0  }
0x20: {  	[sflag:s8] =	ssyncset.s32 @!p0 $0xFFFFF086;
	s6 =	sadd.s32 @!p0 s3, s7;
	s7 =	simm.s32 @!p0 $0x108  }
0x21: {  	s3 =	sadd.s32 s3, s9;
	s6 =	sadd.s32 @!p0 $0x88, s6;
	s7 =	simm.s32 @p2 $0x1082  }
0x22: {  	[simem:s7], [sflag:s8] =	dma.local @!p0 [hbm:s6], $0xF7A  }
0x23: {  	s9 =	sor.u32 $0xD0000000, s2;
	s6 =	simm.s32 $0x108;
	_ =	swait.ge @!p0 [sflag:s8], $0x0  }
0x24: {  	s3 =	sadd.s32 $0x88, s3;
	s6 =	simm.s32 @!p1 $0x1082;
	[sflag:s4] =	ssyncset.s32 $0xFFFFF086  }
0x25: {  	[simem:s6], [sflag:s4] =	dma.local [hbm:s3], $0xF7A  }
0x26: {  	[smem:$0x3F9A] =	sst s1;
	(tag) =	ssettag s2;
	_ =	strace s9  }
0x27: {  	s1 =	sld [smem:$0x3FAA]  }
0x28: {  	s2 =	sld [smem:$0x3FAB]  }
0x29: {  	s4 =	sld [smem:$0x3FAD]  }
0x2a: {  	p0 =	seq.s32 s5, $0x0;
	s5 =	sld [smem:$0x3FAE]  }
0x2b: {  	s6 =	sld [smem:$0x3FAF]  }
0x2c: {  	s7 =	sld [smem:$0x3FB0]  }
0x2d: {  	s3 =	simm.s32 $0x108;
	s8 =	sld [smem:$0x3FB1]  }
0x2e: {  	s3 =	simm.s32 @!p0 $0x1082;
	s9 =	sld [smem:$0x3FB2]  }
0x2f: {  	lr =	sadd.s32 s0, s3;
	s0 =	sld [smem:$0x3FA9]  }
0x30: {  	s3 =	sld [smem:$0x3FAC]  }
0x31: {  	[smem:$0x3FB5] =	sst s10  }
0x32: {  	s10 =	sld [smem:$0x3FB3];
	_ =	sdelay $0x3  }
0x33: {  	p0 =	seq.s32 s10, $0x1;
	s10 =	sld [smem:$0x3FB5];
	_ =	sdelay $0x3  }
0x34: {  	[smem:$0x3FB5] =	sst s10  }
0x35: {  	s10 =	sld [smem:$0x3FB4];
	_ =	sdelay $0x3  }
0x36: {  	p1 =	seq.s32 s10, $0x1;
	s10 =	sld [smem:$0x3FB5];
	_ =	sdelay $0x3  }
0x37: {  	[smem:$0x3FB5] =	sst s10  }
0x38: {  	s10 =	sld [smem:$0x3FB6]  }
0x39: {  	_ = 	snop;
	(pc) =	sbr.ind lr, $3  }
0x3a: {  	_ = 	snop  }
0x3b: {  	_ = 	snop  }
0x3c: {  	p2 =	seq.s32 s10, $0x1;
	s10 =	sld [smem:$0x3FB5]  }
0x3d: {  	_ =	shalt  }
0x3e: {  	_ =	shalt  }
0x3f: {  	_ =	shalt  }
0x40: {  	_ =	shalt  }
0x41: {  	_ =	shalt  }
0x42: {  	_ =	shalt  }
0x43: {  	_ =	shalt  }
0x44: {  	_ =	shalt  }
0x45: {  	_ =	shalt  }
0x46: {  	_ =	shalt  }
0x47: {  	_ =	shalt  }
0x48: {  	_ =	shalt  }
0x49: {  	_ =	shalt  }
0x4a: {  	_ =	shalt  }
0x4b: {  	_ =	shalt  }
0x4c: {  	_ =	shalt  }
0x4d: {  	_ =	shalt  }
0x4e: {  	_ =	shalt  }
0x4f: {  	_ =	shalt  }
0x50: {  	_ =	shalt  }
0x51: {  	_ =	shalt  }
0x52: {  	_ =	shalt  }
0x53: {  	_ =	shalt  }
0x54: {  	_ =	shalt  }
0x55: {  	_ =	shalt  }
0x56: {  	_ =	shalt  }
0x57: {  	_ =	shalt  }
0x58: {  	_ =	shalt  }
0x59: {  	_ =	shalt  }
0x5a: {  	_ =	shalt  }
0x5b: {  	_ =	shalt  }
0x5c: {  	_ =	shalt  }
0x5d: {  	_ =	shalt  }
0x5e: {  	_ =	shalt  }
0x5f: {  	_ =	shalt  }
0x60: {  	_ =	shalt  }
0x61: {  	_ =	shalt  }
0x62: {  	_ =	shalt  }
0x63: {  	_ =	shalt  }
0x64: {  	_ =	shalt  }
0x65: {  	_ =	shalt  }
0x66: {  	_ =	shalt  }
0x67: {  	_ =	shalt  }
0x68: {  	_ =	shalt  }
0x69: {  	_ =	shalt  }
0x6a: {  	_ =	shalt  }
0x6b: {  	_ =	shalt  }
0x6c: {  	_ =	shalt  }
0x6d: {  	_ =	shalt  }
0x6e: {  	_ =	shalt  }
0x6f: {  	_ =	shalt  }
0x70: {  	_ =	shalt  }
0x71: {  	_ =	shalt  }
0x72: {  	_ =	shalt  }
0x73: {  	_ =	shalt  }
0x74: {  	_ =	shalt  }
0x75: {  	_ =	shalt  }
0x76: {  	_ =	shalt  }
0x77: {  	_ =	shalt  }
0x78: {  	_ =	shalt  }
0x79: {  	_ =	shalt  }
0x7a: {  	_ =	shalt  }
0x7b: {  	_ =	shalt  }
0x7c: {  	_ =	shalt  }
0x7d: {  	_ =	shalt  }
0x7e: {  	_ =	shalt  }
0x7f: {  	_ =	shalt  }
0x80: {  	_ =	shalt  }
0x81: {  	_ =	shalt  }
0x82: {  	_ =	shalt  }
0x83: {  	_ =	shalt  }
0x84: {  	_ =	shalt  }
0x85: {  	_ =	shalt  }
0x86: {  	_ =	shalt  }
0x87: {  	_ =	shalt  }
.Lfunc_end0:
.L_simem_size_0:
called_computation_lowered:
.L_overlay_start_0:
0x88: {  	s2 =	sld [smem:$0x3FD9]  }
0x89: {  	s3 =	sld [smem:$0x3FFE];
	_ =	sdelay $0x1  }
0x8a: {  	s1 =	srdreg.scid  }
0x8b: {  	s0 =	sand.u32 $0x1, s1  }
0x8c: {  	s17 =	sshll.u32 s0, $0xA;
	s2 =	sadd.s32 s3, s2  }
0x8d: {  	s2 =	sadd.s32 s2, s17  }
0x8e: {  	[smem:$0x3FC1] =	sst s2  }
0x8f: {  	_ = 	snop  }
0x90: {  	s2 =	sld [smem:$0x3FC7];
	(tm) =	ssettm $0x1  }
0x91: {  	s18 =	sld [smem:$0x3FFB];
	_ =	sdelay $0x3  }
0x92: {  	_ =	strace s18  }
0x93: {  	s3 =	sld [smem:$0x3FFC];
	_ =	sdelay $0x3  }
0x94: {  	_ =	strace s3  }
0x95: {  	s3 =	sld [smem:$0x3FFD];
	_ =	sdelay $0x3  }
0x96: {  	_ =	strace s3  }
0x97: {  	_ =	strace $0x8FFFFFFF  }
0x98: {  	s19 =	sld [smem:$0x3FDB];
	_ =	sdelay $0x1  }
0x99: {  	s4 =	simm.s32 $_scs_section_size  }
0x9a: {  	s5 =	simm.s32 $_size__tile_overlayer_lowered;
	s6 =	simm.s32 $_tile_overlayer_lowered  }
0x9b: {  	s22 =	simm.s32 $0x1BFF;
	s21 =	sshll.u32 s6, $0x1;
	s3 =	sadd.s32 s4, s19  }
0x9c: {  	s7 =	simm.s32 $0x0;
	s20 =	sshll.u32 s5, $0x1;
	s5 =	sadd.s32 s21, s3  }
0x9d: {  	[timem:s7], [sflag:s22] =	dma.local [hbm:s5], s20  }
0x9e: {  	_ =	swait.ge [sflag:s22], s20  }
0x9f: {  	s4 =	ssub.s32 $0x0, s20;
	[sflag:s22] =	ssyncset.done $0x0  }
0xa0: {  	[sflag:s22] =	ssyncadd.s32 s4;
	_ =	sdelay $0x1  }
0xa1: {  	s23 =	simm.s32 $0x1B8B  }
0xa2: {  	_ =	swait.ge [sflag:s23], $0x1  }
0xa3: {  	[sflag:s23] =	ssyncset.done $0x0  }
0xa4: {  	s25 =	simm.s32 $0x1B8E;
	s24 =	sld [smem:$0x3FFE];
	[sflag:s23] =	ssyncadd.s32 $0xFFFFFFFF  }
0xa5: {  	s26 =	simm.s32 $execute0_lowered;
	[smem:$0x3FD2] =	sst s25  }
0xa6: {  	s5 =	sshll.u32 s26, $0x1;
	_ =	strace $0x80000046;
	[dreg:$0x1] =	wrdreg $0xFFFFFFFF  }
0xa7: {  	s28 =	simm.s32 $_size_execute0_lowered;
	s3 =	sadd.s32 s3, s5;
	[dreg:$0x0] =	wrdreg $0x0  }
0xa8: {  	s5 =	sshll.u32 s28, $0x1;
	[dreg:$0x2] =	wrdreg s3  }
0xa9: {  	[dreg:$0x3] =	wrdreg s5  }
0xaa: {  	[dreg:$0x4] =	wrdreg $0xC0  }
0xab: {  	_ =	task [dreg:s7], $0x5FFFF  }
0xac: {  	[dreg:$0x1] =	wrdreg $0xFFFFFFFF  }
0xad: {  	[dreg:$0x0] =	wrdreg $0x60  }
0xae: {  	[dreg:$0x2] =	wrdreg s2  }
0xaf: {  	[dreg:$0x3] =	wrdreg s24  }
0xb0: {  	[dreg:$0x4] =	wrdreg $0x9  }
0xb1: {  	_ =	task.clear_ibuf [dreg:s7], $0x5FFFF;
	_ =	strace $0x90000046  }
0xb2: {  	s29 =	simm.s32 $0x9;
	_ =	strace $0x80000048  }
0xb3: {  	_ =	swait.ge [sflag:s29], $0x1  }
0xb4: {  	[sflag:s29] =	ssyncadd.s32 $0xFFFFFFFF  }
0xb5: {  	_ =	strace $0x90000048  }
0xb6: {  	_ =	sfence  }
0xb7: {  	s30 =	sld [smem:$0x0];
	_ =	sdelay $0x2  }
0xb8: {  	s31 =	sshll.u32 s1, $0xD;
	s1 =	sshrl.u32 s1, $0x2  }
0xb9: {  	s3 =	sand.u32 $0x4000, s31;
	s1 =	sadd.s32 s1, s30  }
0xba: {  	s0 =	sor.u32 s3, s0;
	s1 =	sshll.u32 s1, $0x11  }
0xbb: {  	s0 =	sor.u32 s1, s0  }
0xbc: {  	s0 =	sadd.s32 $0x8F2B, s0  }
0xbd: {  	[sflag:s0] =	ssyncadd.remote.s32 $0x1  }
0xbe: {  	_ =	sfence.sel $0xFFFF  }
0xbf: {  	[dreg:$0x0] =	wrdreg $0xFFFFFFFF;
	(pc) =	sbr.abs _section_cstart, $3  }
0xc0: {  	[dreg:$0x1] =	wrdreg $0xFFFFFFFF  }
0xc1: {  	_ =	task.clear_ibuf [dreg:s7], $0x2FFFF;
	_ =	strace $0x9FFFFFFF  }
0xc2: {  	(tm) =	ssettm $0x7FFFFFFF  }
0xc3: {  	_ =	shalt  }
tec
execute0_lowered:
.L_overlay_start_1:
0x0: {  	(tag) =	ssettag $0x1  }
0x1: {  	s1 =	rddreg [dreg:$0x0]  }
0x2: {  	s0 =	rddreg [dreg:$0x1];
	s2 =	srdreg.scid;
	s3 =	simm.s32 $0x0  }
0x3: {  	s4 =	stileid.u32;
	s7 =	simm.s32 $0x5;
	s8 =	simm.s32 $0x32  }
0x4: {  	s11 =	simm.s32 $0x5900;
	s12 =	simm.s32 $0x100;
	s13 =	simm.s32 $0x7400  }
0x5: {  	s14 =	simm.s32 $0x180;
	s15 =	simm.s32 $0x8D00;
	s16 =	simm.s32 $0x200  }
0x6: {  	s17 =	simm.s32 $0xA800;
	s18 =	simm.s32 $0x280;
	s19 =	simm.s32 $0xC100  }
0x7: {  	s20 =	simm.s32 $0xDC00;
	s21 =	simm.s32 $0xF500;
	s22 =	simm.s32 $0x1  }
0x8: {  	s23 =	simm.s32 $0x2;
	s24 =	simm.s32 $0x3;
	s25 =	simm.s32 $0x4  }
0x9: {  	s26 =	simm.s32 $0x11000;
	s28 =	simm.s32 $0x0;
	s2 =	sand.u32 $0x1, s2  }
0xa: {  	s4 =	sshll.u32 s4, $0xC;
	s5 =	sshll.u32 s2, $0xB;
	s2 =	ssub.s32 $0x2, s2  }
0xb: {  	[smem:$0x7FF] =	sst s3;
	s4 =	sor.u32 s5, s4;
	s31 =	sshrl.u32 s2, $0x1  }
0xc: {  	_ =	strace $0x80000047;
	s0 =	sadd.s32 s4, s0;
	s2 =	ssub.s32 s2, s31  }
0xd: {  	s4 =	sadd.s32 $0x1000, s0;
	s5 =	sadd.s32 $0x11000, s0;
	s6 =	smax.u32 s2, $0x1  }
.LBB2_1:
0xe: {  	[tilespmem:s3], [sflag:$0x5] =	stream.linear.gather [hbm4b:s4+s3], $0x4000, $0x38;
	[tilespmem:$0x15000] =	vst v63  }
0xf: {  	_ =	swait.ge [sflag:s7], $0x4000  }
0x10: {  	[sflag:s7] =	ssyncset.done $0x0  }
0x11: {  	s0 =	simm.s32 $0x4000;
	[sflag:s7] =	ssyncadd.s32 $0xFFFFC000  }
0x12: {  	[tilespmem:s0], [sflag:$0x1] =	stream.indirect.gather [hbm4b:s1+s8], $0x80, s3, s8, $0xb8;
	[tilespmem:$0x15000] =	vst v63  }
0x13: {  	s31 =	simm.s32 $0x80  }
0x14: {  	[tilespmem:s11], [sflag:$0x1] =	stream.indirect.gather [hbm4b:s1+s8], $0x80, s31, s8, $0xb8;
	[tilespmem:$0x15000] =	vst v63  }
0x15: {  	_ = 	snop  }
0x16: {  	[tilespmem:s13], [sflag:$0x2] =	stream.indirect.gather [hbm4b:s1+s8], $0x80, s12, s8, $0xb8;
	[tilespmem:$0x15000] =	vst v63  }
0x17: {  	_ = 	snop  }
0x18: {  	[tilespmem:s15], [sflag:$0x2] =	stream.indirect.gather [hbm4b:s1+s8], $0x80, s14, s8, $0xb8;
	[tilespmem:$0x15000] =	vst v63  }
0x19: {  	_ = 	snop  }
0x1a: {  	[tilespmem:s17], [sflag:$0x3] =	stream.indirect.gather [hbm4b:s1+s8], $0x80, s16, s8, $0xb8;
	[tilespmem:$0x15000] =	vst v63  }
0x1b: {  	s29 =	simm.s32 $0x0  }
0x1c: {  	[tilespmem:s19], [sflag:$0x3] =	stream.indirect.gather [hbm4b:s1+s8], $0x80, s18, s8, $0xb8;
	[tilespmem:$0x15000] =	vst v63  }
.LBB2_2:
0x1d: {  	s0 =	sshll.u32 s29, $0xC  }
0x1e: {  	s2 =	sor.u32 $0xC00, s0  }
0x1f: {  	s30 =	sshra.s32 s2, $0x2  }
0x20: {  	[tilespmem:s20], [sflag:$0x4] =	stream.indirect.gather [hbm4b:s1+s8], $0x80, s30, s8, $0xb8;
	[tilespmem:$0x15000] =	vst v63  }
0x21: {  	s2 =	sor.u32 $0x80, s30  }
0x22: {  	[tilespmem:s21], [sflag:$0x4] =	stream.indirect.gather [hbm4b:s1+s8], $0x80, s2, s8, $0xb8;
	[tilespmem:$0x15000] =	vst v63  }
0x23: {  	_ =	swait.ge [sflag:s22], $0x1900  }
0x24: {  	[sflag:s22] =	ssyncset.done $0x0  }
0x25: {  	[sflag:s22] =	ssyncadd.s32 $0xFFFFE700  }
0x26: {  	_ =	swait.ge [sflag:s22], $0x1900  }
0x27: {  	[sflag:s22] =	ssyncset.done $0x0  }
0x28: {  	s9 =	simm.s32 $0x0;
	[sflag:s22] =	ssyncadd.s32 $0xFFFFE700  }
0x29: {  	v0 =	vld [tilespmem:s9+$0x4070]  }
0x2a: {  	v2 =	vld [tilespmem:s9+$0x4000]  }
0x2b: {  	v3 =	vld [tilespmem:s9+$0x4010]  }
0x2c: {  	v12 =	vld [tilespmem:s9+$0x4020]  }
0x2d: {  	v10 =	vld [tilespmem:s9+$0x4030]  }
0x2e: {  	v1 =	vimm.f32 $0.0e+00;
	v7 =	vimm.f32 $0.0e+00;
	v5 =	vld [tilespmem:s9+$0x4040]  }
0x2f: {  	v8 =	vimm.f32 $0.0e+00;
	v9 =	vld [tilespmem:s9+$0x4050];
	v0 =	vadd.f32 v0, v1;
	v6 =	vadd.f32 v2, v1  }
0x30: {  	s31 =	simm.s32 $0x80;
	s2 =	simm.s32 $0x400;
	v11 =	vld [tilespmem:s9+$0x4060];
	v4 =	vadd.f32 v3, v1;
	v3 =	vimm.f32 $0.0e+00;
	v2 =	vimm.f32 $0.0e+00  }
.LBB2_3:
0x31: {  	p0 =	sne.s32 s2, $0x6200;
	v13 =	vld [tilespmem:s31+$0x4070];
	v1 =	vadd.f32 v12, v1  }
0x32: {  	v14 =	vld [tilespmem:s31+$0x4000];
	v7 =	vadd.f32 v10, v7  }
0x33: {  	v15 =	vld [tilespmem:s31+$0x4010];
	v8 =	vadd.f32 v5, v8  }
.Ltmp0:
0x34: {  	v12 =	vld [tilespmem:s31+$0x4020];
	v3 =	vadd.f32 v9, v3;
	(pc) =	sbr.rel @p0 .LBB2_3-.Ltmp0, $4  }
0x35: {  	v10 =	vld [tilespmem:s31+$0x4030];
	v2 =	vadd.f32 v11, v2  }
0x36: {  	v5 =	vld [tilespmem:s31+$0x4040];
	v0 =	vadd.f32 v13, v0  }
0x37: {  	v6 =	vadd.f32 v14, v6;
	v9 =	vld [tilespmem:s31+$0x4050]  }
0x38: {  	v4 =	vadd.f32 v15, v4;
	v11 =	vld [tilespmem:s31+$0x4060];
	s31 =	sshra.s32 s2, $0x2;
	s2 =	sadd.s32 $0x200, s2  }
0x39: {  	v13 =	vld [tilespmem:s31+$0x4070]  }
0x3a: {  	v14 =	vld [tilespmem:s31+$0x4000]  }
0x3b: {  	v15 =	vld [tilespmem:s31+$0x4010]  }
0x3c: {  	v16 =	vld [tilespmem:s31+$0x4020]  }
0x3d: {  	v17 =	vld [tilespmem:s31+$0x4030]  }
0x3e: {  	v7 =	vadd.f32 v10, v7;
	v10 =	vld [tilespmem:s31+$0x4060]  }
0x3f: {  	v18 =	vld [tilespmem:s31+$0x4040];
	v1 =	vadd.f32 v12, v1;
	v6 =	vadd.f32 v14, v6  }
0x40: {  	v12 =	vld [tilespmem:s31+$0x4050];
	s31 =	sshra.s32 s0, $0x2;
	v4 =	vadd.f32 v15, v4  }
0x41: {  	v2 =	vadd.f32 v11, v2;
	v1 =	vadd.f32 v16, v1;
	[tilespmem:s31+$0x11000] =	vst v6  }
0x42: {  	v0 =	vadd.f32 v13, v0;
	[tilespmem:s31+$0x11010] =	vst v4  }
0x43: {  	v5 =	vadd.f32 v5, v8;
	v2 =	vadd.f32 v10, v2;
	[tilespmem:s31+$0x11020] =	vst v1  }
0x44: {  	v3 =	vadd.f32 v9, v3;
	v6 =	vadd.f32 v17, v7;
	[tilespmem:s31+$0x11070] =	vst v0  }
0x45: {  	v4 =	vadd.f32 v18, v5;
	[tilespmem:s31+$0x11060] =	vst v2  }
0x46: {  	v1 =	vadd.f32 v12, v3;
	[tilespmem:s31+$0x11030] =	vst v6  }
0x47: {  	[tilespmem:s31+$0x11040] =	vst v4  }
0x48: {  	s10 =	simm.s32 $0x0;
	[tilespmem:s31+$0x11050] =	vst v1  }
0x49: {  	v0 =	vld [tilespmem:s10+$0x5970]  }
0x4a: {  	v2 =	vld [tilespmem:s10+$0x5900]  }
0x4b: {  	v3 =	vld [tilespmem:s10+$0x5910]  }
0x4c: {  	v11 =	vld [tilespmem:s10+$0x5920]  }
0x4d: {  	v10 =	vld [tilespmem:s10+$0x5930]  }
0x4e: {  	v8 =	vimm.f32 $0.0e+00;
	v1 =	vimm.f32 $0.0e+00;
	v7 =	vld [tilespmem:s10+$0x5940]  }
0x4f: {  	v6 =	vimm.f32 $0.0e+00;
	v4 =	vimm.f32 $0.0e+00;
	v9 =	vld [tilespmem:s10+$0x5950];
	v0 =	vadd.f32 v0, v1  }
0x50: {  	s2 =	simm.s32 $0x80;
	s9 =	simm.s32 $0x400;
	v12 =	vld [tilespmem:s10+$0x5960];
	v5 =	vadd.f32 v2, v1;
	v3 =	vadd.f32 v3, v1;
	v2 =	vimm.f32 $0.0e+00  }
.LBB2_5:
0x51: {  	p0 =	sne.s32 s9, $0x6200;
	v13 =	vld [tilespmem:s2+$0x5970];
	v1 =	vadd.f32 v11, v1  }
0x52: {  	v14 =	vld [tilespmem:s2+$0x5900];
	v6 =	vadd.f32 v10, v6  }
0x53: {  	v15 =	vld [tilespmem:s2+$0x5910];
	v8 =	vadd.f32 v7, v8  }
.Ltmp1:
0x54: {  	v11 =	vld [tilespmem:s2+$0x5920];
	v4 =	vadd.f32 v9, v4;
	(pc) =	sbr.rel @p0 .LBB2_5-.Ltmp1, $4  }
0x55: {  	v10 =	vld [tilespmem:s2+$0x5930];
	v2 =	vadd.f32 v12, v2  }
0x56: {  	v7 =	vld [tilespmem:s2+$0x5940];
	v0 =	vadd.f32 v13, v0  }
0x57: {  	v5 =	vadd.f32 v14, v5;
	v9 =	vld [tilespmem:s2+$0x5950]  }
0x58: {  	v3 =	vadd.f32 v15, v3;
	v12 =	vld [tilespmem:s2+$0x5960];
	s2 =	sshra.s32 s9, $0x2;
	s9 =	sadd.s32 $0x200, s9  }
0x59: {  	v14 =	vld [tilespmem:s2+$0x5900]  }
0x5a: {  	v15 =	vld [tilespmem:s2+$0x5910]  }
0x5b: {  	v16 =	vld [tilespmem:s2+$0x5920]  }
0x5c: {  	v13 =	vld [tilespmem:s2+$0x5970]  }
0x5d: {  	v6 =	vadd.f32 v10, v6;
	v10 =	vld [tilespmem:s2+$0x5960]  }
0x5e: {  	v17 =	vld [tilespmem:s2+$0x5930];
	v1 =	vadd.f32 v11, v1;
	v5 =	vadd.f32 v14, v5  }
0x5f: {  	v18 =	vld [tilespmem:s2+$0x5940];
	v3 =	vadd.f32 v15, v3  }
0x60: {  	v11 =	vld [tilespmem:s2+$0x5950];
	v2 =	vadd.f32 v12, v2;
	v1 =	vadd.f32 v16, v1;
	[tilespmem:s31+$0x11080] =	vst v5  }
0x61: {  	v0 =	vadd.f32 v13, v0;
	[tilespmem:s31+$0x11090] =	vst v3  }
0x62: {  	v7 =	vadd.f32 v7, v8;
	v2 =	vadd.f32 v10, v2;
	[tilespmem:s31+$0x110A0] =	vst v1  }
0x63: {  	v4 =	vadd.f32 v9, v4;
	v5 =	vadd.f32 v17, v6;
	[tilespmem:s31+$0x110F0] =	vst v0  }
0x64: {  	v3 =	vadd.f32 v18, v7;
	[tilespmem:s31+$0x110E0] =	vst v2  }
0x65: {  	p0 =	seq.s32 s29, $0xF;
	v1 =	vadd.f32 v11, v4;
	[tilespmem:s31+$0x110B0] =	vst v5  }
0x66: {  	s0 =	sshra.s32 @!p0 s0, $0x2;
	[tilespmem:s31+$0x110C0] =	vst v3  }
0x67: {  	s9 =	simm.s32 @!p0 $0x32;
	s10 =	simm.s32 @!p0 $0x4000;
	s2 =	sadd.s32 @!p0 $0x400, s0;
	[tilespmem:s31+$0x110D0] =	vst v1  }
0x68: {  	[tilespmem:s10], [sflag:$0x1] =	stream.indirect.gather @!p0 [hbm4b:s1+s9], $0x80, s2, s9, $0xb8;
	[tilespmem:$0x15000] =	vst v63  }
0x69: {  	s2 =	sadd.s32 @!p0 $0x480, s0;
	s10 =	simm.s32 @!p0 $0x5900  }
0x6a: {  	[tilespmem:s10], [sflag:$0x1] =	stream.indirect.gather @!p0 [hbm4b:s1+s9], $0x80, s2, s9, $0xb8;
	[tilespmem:$0x15000] =	vst v63  }
0x6b: {  	_ =	swait.ge [sflag:s23], $0x1900  }
0x6c: {  	[sflag:s23] =	ssyncset.done $0x0  }
0x6d: {  	[sflag:s23] =	ssyncadd.s32 $0xFFFFE700  }
0x6e: {  	_ =	swait.ge [sflag:s23], $0x1900  }
0x6f: {  	[sflag:s23] =	ssyncset.done $0x0  }
0x70: {  	s10 =	simm.s32 $0x0;
	[sflag:s23] =	ssyncadd.s32 $0xFFFFE700  }
0x71: {  	v0 =	vld [tilespmem:s10+$0x7470]  }
0x72: {  	v2 =	vld [tilespmem:s10+$0x7400]  }
0x73: {  	v3 =	vld [tilespmem:s10+$0x7410]  }
0x74: {  	v11 =	vld [tilespmem:s10+$0x7420]  }
0x75: {  	v10 =	vld [tilespmem:s10+$0x7430]  }
0x76: {  	v8 =	vimm.f32 $0.0e+00;
	v1 =	vimm.f32 $0.0e+00;
	v7 =	vld [tilespmem:s10+$0x7440]  }
0x77: {  	v6 =	vimm.f32 $0.0e+00;
	v4 =	vimm.f32 $0.0e+00;
	v9 =	vld [tilespmem:s10+$0x7450];
	v0 =	vadd.f32 v0, v1  }
0x78: {  	s2 =	simm.s32 $0x80;
	s9 =	simm.s32 $0x400;
	v12 =	vld [tilespmem:s10+$0x7460];
	v5 =	vadd.f32 v2, v1;
	v3 =	vadd.f32 v3, v1;
	v2 =	vimm.f32 $0.0e+00  }
.LBB2_7:
0x79: {  	p1 =	sne.s32 s9, $0x6200;
	v13 =	vld [tilespmem:s2+$0x7470];
	v1 =	vadd.f32 v11, v1  }
0x7a: {  	v14 =	vld [tilespmem:s2+$0x7400];
	v6 =	vadd.f32 v10, v6  }
0x7b: {  	v15 =	vld [tilespmem:s2+$0x7410];
	v8 =	vadd.f32 v7, v8  }
.Ltmp2:
0x7c: {  	v11 =	vld [tilespmem:s2+$0x7420];
	v4 =	vadd.f32 v9, v4;
	(pc) =	sbr.rel @p1 .LBB2_7-.Ltmp2, $4  }
0x7d: {  	v10 =	vld [tilespmem:s2+$0x7430];
	v2 =	vadd.f32 v12, v2  }
0x7e: {  	v7 =	vld [tilespmem:s2+$0x7440];
	v0 =	vadd.f32 v13, v0  }
0x7f: {  	v5 =	vadd.f32 v14, v5;
	v9 =	vld [tilespmem:s2+$0x7450]  }
0x80: {  	v3 =	vadd.f32 v15, v3;
	v12 =	vld [tilespmem:s2+$0x7460];
	s2 =	sshra.s32 s9, $0x2;
	s9 =	sadd.s32 $0x200, s9  }
0x81: {  	v14 =	vld [tilespmem:s2+$0x7400]  }
0x82: {  	v15 =	vld [tilespmem:s2+$0x7410]  }
0x83: {  	v16 =	vld [tilespmem:s2+$0x7420]  }
0x84: {  	v13 =	vld [tilespmem:s2+$0x7470]  }
0x85: {  	v6 =	vadd.f32 v10, v6;
	v10 =	vld [tilespmem:s2+$0x7460]  }
0x86: {  	v17 =	vld [tilespmem:s2+$0x7430];
	v1 =	vadd.f32 v11, v1;
	v5 =	vadd.f32 v14, v5  }
0x87: {  	v18 =	vld [tilespmem:s2+$0x7440];
	v3 =	vadd.f32 v15, v3  }
0x88: {  	v11 =	vld [tilespmem:s2+$0x7450];
	v2 =	vadd.f32 v12, v2;
	v1 =	vadd.f32 v16, v1;
	[tilespmem:s31+$0x11100] =	vst v5  }
0x89: {  	v0 =	vadd.f32 v13, v0;
	[tilespmem:s31+$0x11110] =	vst v3  }
0x8a: {  	v7 =	vadd.f32 v7, v8;
	v2 =	vadd.f32 v10, v2;
	[tilespmem:s31+$0x11120] =	vst v1  }
0x8b: {  	v4 =	vadd.f32 v9, v4;
	v5 =	vadd.f32 v17, v6;
	[tilespmem:s31+$0x11170] =	vst v0  }
0x8c: {  	v3 =	vadd.f32 v18, v7;
	[tilespmem:s31+$0x11160] =	vst v2  }
0x8d: {  	v1 =	vadd.f32 v11, v4;
	[tilespmem:s31+$0x11130] =	vst v5  }
0x8e: {  	[tilespmem:s31+$0x11140] =	vst v3  }
0x8f: {  	s10 =	simm.s32 $0x0;
	[tilespmem:s31+$0x11150] =	vst v1  }
0x90: {  	v0 =	vld [tilespmem:s10+$0x8D70]  }
0x91: {  	v2 =	vld [tilespmem:s10+$0x8D00]  }
0x92: {  	v3 =	vld [tilespmem:s10+$0x8D10]  }
0x93: {  	v11 =	vld [tilespmem:s10+$0x8D20]  }
0x94: {  	v10 =	vld [tilespmem:s10+$0x8D30]  }
0x95: {  	v8 =	vimm.f32 $0.0e+00;
	v1 =	vimm.f32 $0.0e+00;
	v7 =	vld [tilespmem:s10+$0x8D40]  }
0x96: {  	v6 =	vimm.f32 $0.0e+00;
	v4 =	vimm.f32 $0.0e+00;
	v9 =	vld [tilespmem:s10+$0x8D50];
	v0 =	vadd.f32 v0, v1  }
0x97: {  	s9 =	simm.s32 $0x400;
	s2 =	simm.s32 $0x80;
	v12 =	vld [tilespmem:s10+$0x8D60];
	v5 =	vadd.f32 v2, v1;
	v3 =	vadd.f32 v3, v1;
	v2 =	vimm.f32 $0.0e+00  }
.LBB2_9:
0x98: {  	p1 =	sne.s32 s9, $0x6200;
	v13 =	vld [tilespmem:s2+$0x8D70];
	v1 =	vadd.f32 v11, v1  }
0x99: {  	v14 =	vld [tilespmem:s2+$0x8D00];
	v6 =	vadd.f32 v10, v6  }
0x9a: {  	v15 =	vld [tilespmem:s2+$0x8D10];
	v8 =	vadd.f32 v7, v8  }
.Ltmp3:
0x9b: {  	v11 =	vld [tilespmem:s2+$0x8D20];
	v4 =	vadd.f32 v9, v4;
	(pc) =	sbr.rel @p1 .LBB2_9-.Ltmp3, $4  }
0x9c: {  	v10 =	vld [tilespmem:s2+$0x8D30];
	v2 =	vadd.f32 v12, v2  }
0x9d: {  	v7 =	vld [tilespmem:s2+$0x8D40];
	v0 =	vadd.f32 v13, v0  }
0x9e: {  	v5 =	vadd.f32 v14, v5;
	v9 =	vld [tilespmem:s2+$0x8D50]  }
0x9f: {  	v3 =	vadd.f32 v15, v3;
	v12 =	vld [tilespmem:s2+$0x8D60];
	s2 =	sshra.s32 s9, $0x2;
	s9 =	sadd.s32 $0x200, s9  }
0xa0: {  	v14 =	vld [tilespmem:s2+$0x8D00]  }
0xa1: {  	v15 =	vld [tilespmem:s2+$0x8D10]  }
0xa2: {  	v16 =	vld [tilespmem:s2+$0x8D20]  }
0xa3: {  	v13 =	vld [tilespmem:s2+$0x8D70]  }
0xa4: {  	v6 =	vadd.f32 v10, v6;
	v10 =	vld [tilespmem:s2+$0x8D60]  }
0xa5: {  	v17 =	vld [tilespmem:s2+$0x8D30];
	v1 =	vadd.f32 v11, v1;
	v5 =	vadd.f32 v14, v5  }
0xa6: {  	v18 =	vld [tilespmem:s2+$0x8D40];
	v3 =	vadd.f32 v15, v3  }
0xa7: {  	v11 =	vld [tilespmem:s2+$0x8D50];
	v2 =	vadd.f32 v12, v2;
	v1 =	vadd.f32 v16, v1;
	[tilespmem:s31+$0x11180] =	vst v5  }
0xa8: {  	v0 =	vadd.f32 v13, v0;
	[tilespmem:s31+$0x11190] =	vst v3  }
0xa9: {  	v7 =	vadd.f32 v7, v8;
	v2 =	vadd.f32 v10, v2;
	[tilespmem:s31+$0x111A0] =	vst v1  }
0xaa: {  	v4 =	vadd.f32 v9, v4;
	v5 =	vadd.f32 v17, v6;
	[tilespmem:s31+$0x111F0] =	vst v0  }
0xab: {  	v3 =	vadd.f32 v18, v7;
	[tilespmem:s31+$0x111E0] =	vst v2  }
0xac: {  	v1 =	vadd.f32 v11, v4;
	[tilespmem:s31+$0x111B0] =	vst v5  }
0xad: {  	[tilespmem:s31+$0x111C0] =	vst v3  }
0xae: {  	s9 =	simm.s32 @!p0 $0x32;
	s10 =	simm.s32 @!p0 $0x7400;
	s2 =	sadd.s32 @!p0 $0x500, s0;
	[tilespmem:s31+$0x111D0] =	vst v1  }
0xaf: {  	[tilespmem:s10], [sflag:$0x2] =	stream.indirect.gather @!p0 [hbm4b:s1+s9], $0x80, s2, s9, $0xb8;
	[tilespmem:$0x15000] =	vst v63  }
0xb0: {  	s2 =	sadd.s32 @!p0 $0x580, s0;
	s10 =	simm.s32 @!p0 $0x8D00  }
0xb1: {  	[tilespmem:s10], [sflag:$0x2] =	stream.indirect.gather @!p0 [hbm4b:s1+s9], $0x80, s2, s9, $0xb8;
	[tilespmem:$0x15000] =	vst v63  }
0xb2: {  	_ =	swait.ge [sflag:s24], $0x1900  }
0xb3: {  	[sflag:s24] =	ssyncset.done $0x0  }
0xb4: {  	[sflag:s24] =	ssyncadd.s32 $0xFFFFE700  }
0xb5: {  	_ =	swait.ge [sflag:s24], $0x1900  }
0xb6: {  	[sflag:s24] =	ssyncset.done $0x0  }
0xb7: {  	s10 =	simm.s32 $0x0;
	[sflag:s24] =	ssyncadd.s32 $0xFFFFE700  }
0xb8: {  	v0 =	vld [tilespmem:s10+$0xA870]  }
0xb9: {  	v2 =	vld [tilespmem:s10+$0xA800]  }
0xba: {  	v3 =	vld [tilespmem:s10+$0xA810]  }
0xbb: {  	v11 =	vld [tilespmem:s10+$0xA820]  }
0xbc: {  	v10 =	vld [tilespmem:s10+$0xA830]  }
0xbd: {  	v8 =	vimm.f32 $0.0e+00;
	v1 =	vimm.f32 $0.0e+00;
	v7 =	vld [tilespmem:s10+$0xA840]  }
0xbe: {  	v6 =	vimm.f32 $0.0e+00;
	v4 =	vimm.f32 $0.0e+00;
	v9 =	vld [tilespmem:s10+$0xA850];
	v0 =	vadd.f32 v0, v1  }
0xbf: {  	s2 =	simm.s32 $0x80;
	s9 =	simm.s32 $0x400;
	v12 =	vld [tilespmem:s10+$0xA860];
	v5 =	vadd.f32 v2, v1;
	v3 =	vadd.f32 v3, v1;
	v2 =	vimm.f32 $0.0e+00  }
.LBB2_11:
0xc0: {  	p1 =	sne.s32 s9, $0x6200;
	v13 =	vld [tilespmem:s2+$0xA870];
	v1 =	vadd.f32 v11, v1  }
0xc1: {  	v14 =	vld [tilespmem:s2+$0xA800];
	v6 =	vadd.f32 v10, v6  }
0xc2: {  	v15 =	vld [tilespmem:s2+$0xA810];
	v8 =	vadd.f32 v7, v8  }
.Ltmp4:
0xc3: {  	v11 =	vld [tilespmem:s2+$0xA820];
	v4 =	vadd.f32 v9, v4;
	(pc) =	sbr.rel @p1 .LBB2_11-.Ltmp4, $4  }
0xc4: {  	v10 =	vld [tilespmem:s2+$0xA830];
	v2 =	vadd.f32 v12, v2  }
0xc5: {  	v7 =	vld [tilespmem:s2+$0xA840];
	v0 =	vadd.f32 v13, v0  }
0xc6: {  	v5 =	vadd.f32 v14, v5;
	v9 =	vld [tilespmem:s2+$0xA850]  }
0xc7: {  	v3 =	vadd.f32 v15, v3;
	v12 =	vld [tilespmem:s2+$0xA860];
	s2 =	sshra.s32 s9, $0x2;
	s9 =	sadd.s32 $0x200, s9  }
0xc8: {  	v14 =	vld [tilespmem:s2+$0xA800]  }
0xc9: {  	v15 =	vld [tilespmem:s2+$0xA810]  }
0xca: {  	v16 =	vld [tilespmem:s2+$0xA820]  }
0xcb: {  	v13 =	vld [tilespmem:s2+$0xA870]  }
0xcc: {  	v6 =	vadd.f32 v10, v6;
	v10 =	vld [tilespmem:s2+$0xA860]  }
0xcd: {  	v17 =	vld [tilespmem:s2+$0xA830];
	v1 =	vadd.f32 v11, v1;
	v5 =	vadd.f32 v14, v5  }
0xce: {  	v18 =	vld [tilespmem:s2+$0xA840];
	v3 =	vadd.f32 v15, v3  }
0xcf: {  	v11 =	vld [tilespmem:s2+$0xA850];
	v2 =	vadd.f32 v12, v2;
	v1 =	vadd.f32 v16, v1;
	[tilespmem:s31+$0x11200] =	vst v5  }
0xd0: {  	v0 =	vadd.f32 v13, v0;
	[tilespmem:s31+$0x11210] =	vst v3  }
0xd1: {  	v7 =	vadd.f32 v7, v8;
	v2 =	vadd.f32 v10, v2;
	[tilespmem:s31+$0x11220] =	vst v1  }
0xd2: {  	v4 =	vadd.f32 v9, v4;
	v5 =	vadd.f32 v17, v6;
	[tilespmem:s31+$0x11270] =	vst v0  }
0xd3: {  	v3 =	vadd.f32 v18, v7;
	[tilespmem:s31+$0x11260] =	vst v2  }
0xd4: {  	v1 =	vadd.f32 v11, v4;
	[tilespmem:s31+$0x11230] =	vst v5  }
0xd5: {  	[tilespmem:s31+$0x11240] =	vst v3  }
0xd6: {  	s10 =	simm.s32 $0x0;
	[tilespmem:s31+$0x11250] =	vst v1  }
0xd7: {  	v0 =	vld [tilespmem:s10+$0xC170]  }
0xd8: {  	v2 =	vld [tilespmem:s10+$0xC100]  }
0xd9: {  	v3 =	vld [tilespmem:s10+$0xC110]  }
0xda: {  	v11 =	vld [tilespmem:s10+$0xC120]  }
0xdb: {  	v10 =	vld [tilespmem:s10+$0xC130]  }
0xdc: {  	v8 =	vimm.f32 $0.0e+00;
	v1 =	vimm.f32 $0.0e+00;
	v7 =	vld [tilespmem:s10+$0xC140]  }
0xdd: {  	v6 =	vimm.f32 $0.0e+00;
	v4 =	vimm.f32 $0.0e+00;
	v9 =	vld [tilespmem:s10+$0xC150];
	v0 =	vadd.f32 v0, v1  }
0xde: {  	s9 =	simm.s32 $0x400;
	s2 =	simm.s32 $0x80;
	v12 =	vld [tilespmem:s10+$0xC160];
	v5 =	vadd.f32 v2, v1;
	v3 =	vadd.f32 v3, v1;
	v2 =	vimm.f32 $0.0e+00  }
.LBB2_13:
0xdf: {  	p1 =	sne.s32 s9, $0x6200;
	v13 =	vld [tilespmem:s2+$0xC170];
	v1 =	vadd.f32 v11, v1  }
0xe0: {  	v14 =	vld [tilespmem:s2+$0xC100];
	v6 =	vadd.f32 v10, v6  }
0xe1: {  	v15 =	vld [tilespmem:s2+$0xC110];
	v8 =	vadd.f32 v7, v8  }
.Ltmp5:
0xe2: {  	v11 =	vld [tilespmem:s2+$0xC120];
	v4 =	vadd.f32 v9, v4;
	(pc) =	sbr.rel @p1 .LBB2_13-.Ltmp5, $4  }
0xe3: {  	v10 =	vld [tilespmem:s2+$0xC130];
	v2 =	vadd.f32 v12, v2  }
0xe4: {  	v7 =	vld [tilespmem:s2+$0xC140];
	v0 =	vadd.f32 v13, v0  }
0xe5: {  	v5 =	vadd.f32 v14, v5;
	v9 =	vld [tilespmem:s2+$0xC150]  }
0xe6: {  	v3 =	vadd.f32 v15, v3;
	v12 =	vld [tilespmem:s2+$0xC160];
	s2 =	sshra.s32 s9, $0x2;
	s9 =	sadd.s32 $0x200, s9  }
0xe7: {  	v14 =	vld [tilespmem:s2+$0xC100]  }
0xe8: {  	v15 =	vld [tilespmem:s2+$0xC110]  }
0xe9: {  	v16 =	vld [tilespmem:s2+$0xC120]  }
0xea: {  	v13 =	vld [tilespmem:s2+$0xC170]  }
0xeb: {  	v6 =	vadd.f32 v10, v6;
	v10 =	vld [tilespmem:s2+$0xC160]  }
0xec: {  	v17 =	vld [tilespmem:s2+$0xC130];
	v1 =	vadd.f32 v11, v1;
	v5 =	vadd.f32 v14, v5  }
0xed: {  	v18 =	vld [tilespmem:s2+$0xC140];
	v3 =	vadd.f32 v15, v3  }
0xee: {  	v11 =	vld [tilespmem:s2+$0xC150];
	v2 =	vadd.f32 v12, v2;
	v1 =	vadd.f32 v16, v1;
	[tilespmem:s31+$0x11280] =	vst v5  }
0xef: {  	v0 =	vadd.f32 v13, v0;
	[tilespmem:s31+$0x11290] =	vst v3  }
0xf0: {  	v7 =	vadd.f32 v7, v8;
	v2 =	vadd.f32 v10, v2;
	[tilespmem:s31+$0x112A0] =	vst v1  }
0xf1: {  	v4 =	vadd.f32 v9, v4;
	v5 =	vadd.f32 v17, v6;
	[tilespmem:s31+$0x112F0] =	vst v0  }
0xf2: {  	v3 =	vadd.f32 v18, v7;
	[tilespmem:s31+$0x112E0] =	vst v2  }
0xf3: {  	v1 =	vadd.f32 v11, v4;
	[tilespmem:s31+$0x112B0] =	vst v5  }
0xf4: {  	[tilespmem:s31+$0x112C0] =	vst v3  }
0xf5: {  	s9 =	simm.s32 @!p0 $0x32;
	s10 =	simm.s32 @!p0 $0xA800;
	s2 =	sadd.s32 @!p0 $0x600, s0;
	[tilespmem:s31+$0x112D0] =	vst v1  }
0xf6: {  	[tilespmem:s10], [sflag:$0x3] =	stream.indirect.gather @!p0 [hbm4b:s1+s9], $0x80, s2, s9, $0xb8;
	[tilespmem:$0x15000] =	vst v63  }
0xf7: {  	s0 =	sadd.s32 @!p0 $0x680, s0;
	s2 =	simm.s32 @!p0 $0xC100  }
0xf8: {  	[tilespmem:s2], [sflag:$0x3] =	stream.indirect.gather @!p0 [hbm4b:s1+s9], $0x80, s0, s9, $0xb8;
	[tilespmem:$0x15000] =	vst v63  }
0xf9: {  	_ =	swait.ge [sflag:s25], $0x1900  }
0xfa: {  	[sflag:s25] =	ssyncset.done $0x0  }
0xfb: {  	[sflag:s25] =	ssyncadd.s32 $0xFFFFE700  }
0xfc: {  	_ =	swait.ge [sflag:s25], $0x1900  }
0xfd: {  	[sflag:s25] =	ssyncset.done $0x0  }
0xfe: {  	s31 =	simm.s32 $0x0;
	[sflag:s25] =	ssyncadd.s32 $0xFFFFE700  }
0xff: {  	v0 =	vld [tilespmem:s31+$0xDC70]  }
0x100: {  	v2 =	vld [tilespmem:s31+$0xDC00]  }
0x101: {  	v3 =	vld [tilespmem:s31+$0xDC10]  }
0x102: {  	v11 =	vld [tilespmem:s31+$0xDC20]  }
0x103: {  	v10 =	vld [tilespmem:s31+$0xDC30]  }
0x104: {  	v8 =	vimm.f32 $0.0e+00;
	v1 =	vimm.f32 $0.0e+00;
	v7 =	vld [tilespmem:s31+$0xDC40]  }
0x105: {  	v6 =	vimm.f32 $0.0e+00;
	v4 =	vimm.f32 $0.0e+00;
	v9 =	vld [tilespmem:s31+$0xDC50];
	v0 =	vadd.f32 v0, v1  }
0x106: {  	s0 =	simm.s32 $0x80;
	s2 =	simm.s32 $0x400;
	v12 =	vld [tilespmem:s31+$0xDC60];
	v5 =	vadd.f32 v2, v1;
	v3 =	vadd.f32 v3, v1;
	v2 =	vimm.f32 $0.0e+00  }
.LBB2_15:
0x107: {  	p0 =	sne.s32 s2, $0x6200;
	v13 =	vld [tilespmem:s0+$0xDC70];
	v1 =	vadd.f32 v11, v1  }
0x108: {  	v14 =	vld [tilespmem:s0+$0xDC00];
	v6 =	vadd.f32 v10, v6  }
0x109: {  	v15 =	vld [tilespmem:s0+$0xDC10];
	v8 =	vadd.f32 v7, v8  }
.Ltmp6:
0x10a: {  	v11 =	vld [tilespmem:s0+$0xDC20];
	v4 =	vadd.f32 v9, v4;
	(pc) =	sbr.rel @p0 .LBB2_15-.Ltmp6, $4  }
0x10b: {  	v10 =	vld [tilespmem:s0+$0xDC30];
	v2 =	vadd.f32 v12, v2  }
0x10c: {  	v7 =	vld [tilespmem:s0+$0xDC40];
	v0 =	vadd.f32 v13, v0  }
0x10d: {  	v5 =	vadd.f32 v14, v5;
	v9 =	vld [tilespmem:s0+$0xDC50]  }
0x10e: {  	v3 =	vadd.f32 v15, v3;
	v12 =	vld [tilespmem:s0+$0xDC60];
	s0 =	sshra.s32 s2, $0x2;
	s2 =	sadd.s32 $0x200, s2  }
0x10f: {  	v14 =	vld [tilespmem:s0+$0xDC00]  }
0x110: {  	v15 =	vld [tilespmem:s0+$0xDC10]  }
0x111: {  	v16 =	vld [tilespmem:s0+$0xDC20]  }
0x112: {  	v13 =	vld [tilespmem:s0+$0xDC70]  }
0x113: {  	v6 =	vadd.f32 v10, v6;
	v10 =	vld [tilespmem:s0+$0xDC60]  }
0x114: {  	v17 =	vld [tilespmem:s0+$0xDC30];
	v1 =	vadd.f32 v11, v1;
	v5 =	vadd.f32 v14, v5  }
0x115: {  	v18 =	vld [tilespmem:s0+$0xDC40];
	v3 =	vadd.f32 v15, v3  }
0x116: {  	v11 =	vld [tilespmem:s0+$0xDC50];
	v2 =	vadd.f32 v12, v2;
	v1 =	vadd.f32 v16, v1;
	[tilespmem:s30+$0x11000] =	vst v5  }
0x117: {  	v0 =	vadd.f32 v13, v0;
	[tilespmem:s30+$0x11010] =	vst v3  }
0x118: {  	v7 =	vadd.f32 v7, v8;
	v2 =	vadd.f32 v10, v2;
	[tilespmem:s30+$0x11020] =	vst v1  }
0x119: {  	v4 =	vadd.f32 v9, v4;
	v5 =	vadd.f32 v17, v6;
	[tilespmem:s30+$0x11070] =	vst v0  }
0x11a: {  	v3 =	vadd.f32 v18, v7;
	[tilespmem:s30+$0x11060] =	vst v2  }
0x11b: {  	v1 =	vadd.f32 v11, v4;
	[tilespmem:s30+$0x11030] =	vst v5  }
0x11c: {  	[tilespmem:s30+$0x11040] =	vst v3  }
0x11d: {  	s9 =	simm.s32 $0x0;
	[tilespmem:s30+$0x11050] =	vst v1  }
0x11e: {  	v0 =	vld [tilespmem:s9+$0xF570]  }
0x11f: {  	v2 =	vld [tilespmem:s9+$0xF500]  }
0x120: {  	v3 =	vld [tilespmem:s9+$0xF510]  }
0x121: {  	v11 =	vld [tilespmem:s9+$0xF520]  }
0x122: {  	v10 =	vld [tilespmem:s9+$0xF530]  }
0x123: {  	v8 =	vimm.f32 $0.0e+00;
	v1 =	vimm.f32 $0.0e+00;
	v7 =	vld [tilespmem:s9+$0xF540]  }
0x124: {  	v6 =	vimm.f32 $0.0e+00;
	v4 =	vimm.f32 $0.0e+00;
	v9 =	vld [tilespmem:s9+$0xF550];
	v0 =	vadd.f32 v0, v1  }
0x125: {  	s2 =	simm.s32 $0x400;
	s0 =	simm.s32 $0x80;
	v12 =	vld [tilespmem:s9+$0xF560];
	v5 =	vadd.f32 v2, v1;
	v3 =	vadd.f32 v3, v1;
	v2 =	vimm.f32 $0.0e+00  }
.LBB2_17:
0x126: {  	p0 =	sne.s32 s2, $0x6200;
	v13 =	vld [tilespmem:s0+$0xF570];
	v1 =	vadd.f32 v11, v1  }
0x127: {  	v14 =	vld [tilespmem:s0+$0xF500];
	v6 =	vadd.f32 v10, v6  }
0x128: {  	v15 =	vld [tilespmem:s0+$0xF510];
	v8 =	vadd.f32 v7, v8  }
.Ltmp7:
0x129: {  	v11 =	vld [tilespmem:s0+$0xF520];
	v4 =	vadd.f32 v9, v4;
	(pc) =	sbr.rel @p0 .LBB2_17-.Ltmp7, $4  }
0x12a: {  	v10 =	vld [tilespmem:s0+$0xF530];
	v2 =	vadd.f32 v12, v2  }
0x12b: {  	v7 =	vld [tilespmem:s0+$0xF540];
	v0 =	vadd.f32 v13, v0  }
0x12c: {  	v5 =	vadd.f32 v14, v5;
	v9 =	vld [tilespmem:s0+$0xF550]  }
0x12d: {  	v3 =	vadd.f32 v15, v3;
	v12 =	vld [tilespmem:s0+$0xF560];
	s0 =	sshra.s32 s2, $0x2;
	s2 =	sadd.s32 $0x200, s2  }
0x12e: {  	v14 =	vld [tilespmem:s0+$0xF500]  }
0x12f: {  	v15 =	vld [tilespmem:s0+$0xF510]  }
0x130: {  	v16 =	vld [tilespmem:s0+$0xF520]  }
0x131: {  	v17 =	vld [tilespmem:s0+$0xF530]  }
0x132: {  	v18 =	vld [tilespmem:s0+$0xF540]  }
0x133: {  	v1 =	vadd.f32 v11, v1;
	v59 =	vld [tilespmem:s0+$0xF550];
	v5 =	vadd.f32 v14, v5  }
0x134: {  	v13 =	vld [tilespmem:s0+$0xF570];
	v6 =	vadd.f32 v10, v6;
	v3 =	vadd.f32 v15, v3  }
0x135: {  	v60 =	vld [tilespmem:s0+$0xF560];
	v7 =	vadd.f32 v7, v8;
	v1 =	vadd.f32 v16, v1;
	[tilespmem:s30+$0x11080] =	vst v5  }
0x136: {  	s29 =	sadd.s32 $0x1, s29;
	v4 =	vadd.f32 v9, v4;
	v61 =	vadd.f32 v17, v6;
	[tilespmem:s30+$0x11090] =	vst v3  }
0x137: {  	p0 =	sne.s32 s29, $0x10;
	v62 =	vadd.f32 v18, v7;
	[tilespmem:s30+$0x110A0] =	vst v1  }
.Ltmp8:
0x138: {  	v2 =	vadd.f32 v12, v2;
	v63 =	vadd.f32 v59, v4;
	[tilespmem:s30+$0x110B0] =	vst v61;
	(pc) =	sbr.rel @p0 .LBB2_2-.Ltmp8, $4  }
0x139: {  	v0 =	vadd.f32 v13, v0;
	[tilespmem:s30+$0x110C0] =	vst v62  }
0x13a: {  	v2 =	vadd.f32 v60, v2;
	[tilespmem:s30+$0x110D0] =	vst v63  }
0x13b: {  	[tilespmem:s30+$0x110F0] =	vst v0  }
0x13c: {  	[tilespmem:s30+$0x110E0] =	vst v2  }
0x13d: {  	s28 =	sadd.s32 $0x1, s28  }
0x13e: {  	p0 =	sne.s32 s28, s6  }
.Ltmp9:
0x13f: {  	_ = 	snop;
	(pc) =	sbr.rel @p0 .LBB2_1-.Ltmp9, $4  }
0x140: {  	[hbm4b:s5+s3] =	stream.linear.scatter [tilespmem:s26], [sflag:$0x5], $0x4000, $0x38;
	[tilespmem:$0x15000] =	vst v63  }
0x141: {  	_ =	swait.ge [sflag:s7], $0x4000  }
0x142: {  	[sflag:s7] =	ssyncset.done $0x0  }
0x143: {  	[sflag:s7] =	ssyncadd.s32 $0xFFFFC000  }
0x144: {  	_ =	sfence.sel $0x180000  }
0x145: {  	[bflag:$0x0] =	sbarrier.arrive $0xFFFF  }
0x146: {  	_ =	strace $0x90000047  }
0x147: {  	s0 =	stileid.u32;
	[bflag:$0x2] =	sbarrier.arrive $0xFFFF  }
0x148: {  	p0 =	sne.s32 s0, $0x0;
	s0 =	rddreg [dreg:$0x2]  }
0x149: {  	s0 =	sadd.s32 @!p0 $0x100000, s0  }
0x14a: {  	[sflag:s0] =	ssyncadd.tile.s32 @!p0 $0x1;
	_ =	shalt  }
.Lfunc_end2:
_tile_overlayer_lowered:
.L_overlay_start_2:
0x14b: {  	(tag) =	ssettag $0x2  }
0x14c: {  	s0 =	rddreg [dreg:$0x0];
	s2 =	stileid.u32  }
0x14d: {  	s1 =	rddreg [dreg:$0x1];
	p0 =	sne.s32 s2, $0x0  }
0x14e: {  	s3 =	rddreg [dreg:$0x2];
	[bflag:$0x3] =	sbarrier.arrive $0xFFFF;
	s2 =	simm.s32 @!p0 $0x1C05  }
0x14f: {  	[timem:s3], [sflag:s2] =	dma.local @!p0 [hbm:s0], s1  }
0x150: {  	s0 =	simm.s32 @!p0 $0x5  }
0x151: {  	_ =	swait.ge @!p0 [sflag:s0], s1  }
0x152: {  	s1 =	ssub.s32 @!p0 $0x0, s1;
	[sflag:s0] =	ssyncset.done @!p0 $0x0  }
0x153: {  	[sflag:s0] =	ssyncadd.s32 @!p0 s1  }
0x154: {  	[bflag:$0x3] =	sbarrier.arrive $0xFFFF  }
0x155: {  	_ =	shalt  }

</sc_bundles>
